<compile_context>
chip_gen: v7x
topology: tpu7x:2x2x1
jax: 0.10.2.dev20260603
libtpu: 0.0.44.dev20260713+nightly
codegen_flags: <defaults>
</compile_context>

<pallas_src>
import functools

import jax
import jax.numpy as jnp
from jax import lax
from jax.experimental import pallas as pl
from jax.experimental.pallas import tpu as pltpu
from jax.experimental.pallas import tpu_sc as plsc

_VOCAB = 100000
_DIM = 16
_BATCH = 1024
_TV = 1024


@functools.cache
def _sc_gather_kernel():
    info = plsc.get_sparse_core_info()
    nc, ns = info.num_cores, info.num_subcores
    nw = nc * ns
    b_per_w = _BATCH // nw
    mesh = plsc.VectorSubcoreMesh(core_axis_name="c", subcore_axis_name="s")

    @functools.partial(
        pl.kernel,
        mesh=mesh,
        out_type=jax.ShapeDtypeStruct((_DIM + 1, _BATCH), jnp.float32),
        scratch_types=[
            pltpu.VMEM((b_per_w,), jnp.int32),
            pltpu.VMEM((_DIM + 1, b_per_w), jnp.float32),
            pltpu.SemaphoreType.DMA,
        ],
        compiler_params=pltpu.CompilerParams(use_tc_tiling_on_sc=False),
    )
    def gather(flat_hbm, idx_hbm, out_hbm, idx_v, rows_v, sem):
        wid = lax.axis_index("s") * nc + lax.axis_index("c")
        base = wid * b_per_w
        pltpu.sync_copy(idx_hbm.at[pl.ds(base, b_per_w)], idx_v)
        copies = []
        for g in range(b_per_w // 16):
            v = idx_v[pl.ds(g * 16, 16)]
            for k in range(_DIM):
                copies.append(
                    pltpu.async_copy(
                        flat_hbm.at[v + k * _VOCAB],
                        rows_v.at[k, pl.ds(g * 16, 16)],
                        sem,
                    )
                )
        for g in range(b_per_w // 16):
            rows_v[_DIM, pl.ds(g * 16, 16)] = jnp.ones((16,), jnp.float32)
        for c in copies:
            c.wait()
        pltpu.sync_copy(rows_v, out_hbm.at[:, pl.ds(base, b_per_w)])

    return gather


def _matmul_t_body(w_ref, b_ref, e_ref, out_ref):
    lhs = jnp.concatenate([w_ref[...], b_ref[...]], axis=0)
    out_ref[...] = jax.lax.dot_general(
        lhs,
        e_ref[...],
        dimension_numbers=(((0,), (0,)), ((), ())),
        preferred_element_type=jnp.float32,
    )


def kernel(center_word_idx, emb_table, out_weight, out_bias):
    idx = center_word_idx.astype(jnp.int32)
    flat_table = emb_table.T.reshape(-1)
    emb_aug = _sc_gather_kernel()(flat_table, idx)
    w_t = out_weight.T
    bias2d = out_bias.reshape(1, _VOCAB)
    out_t = pl.pallas_call(
        _matmul_t_body,
        grid=(pl.cdiv(_VOCAB, _TV),),
        in_specs=[
            pl.BlockSpec((_DIM, _TV), lambda i: (0, i)),
            pl.BlockSpec((1, _TV), lambda i: (0, i)),
            pl.BlockSpec((_DIM + 1, _BATCH), lambda i: (0, 0)),
        ],
        out_specs=pl.BlockSpec((_TV, _BATCH), lambda i: (i, 0)),
        out_shape=jax.ShapeDtypeStruct((_VOCAB, _BATCH), jnp.float32),
    )(w_t, bias2d, emb_aug)
    return out_t.T

# --- scband reference (transcript-rebuilt; emitter-appended) ---
"""Pipeline reference for scband-skip-gram-model-45414984188449 (READ-ONLY COPY).

The authoritative reference and input builder live on the scoring server;
editing this copy changes nothing except your own understanding.
"""

import jax, jax.numpy as jnp
import numpy as np

VOCAB = 100000
DIM = 16
BATCH = 1024

def setup_inputs(seed: int = 0) -> dict:
    key = jax.random.key(seed)
    k_idx, k_emb, k_w = jax.random.split(key, 3)
    center_word_idx = jax.random.randint(k_idx, (BATCH,), 0, VOCAB, dtype=jnp.int64 if jax.config.jax_enable_x64 else jnp.int32)
    emb_table = jax.random.normal(k_emb, (VOCAB, DIM), dtype=jnp.float32) * 0.05
    out_weight = jax.random.normal(k_w, (VOCAB, DIM), dtype=jnp.float32) * 0.05  # torch Linear weight [out_features, in_features]
    out_bias = jnp.zeros((VOCAB,), dtype=jnp.float32)
    return {"center_word_idx": center_word_idx, "emb_table": emb_table, "out_weight": out_weight, "out_bias": out_bias}

def reference(center_word_idx, emb_table, out_weight, out_bias):
    # embeds = self.embeddings(center_word_idx)
    embeds = jnp.take(emb_table, center_word_idx, axis=0)  # [B, DIM]
    # out = self.output(embeds)  (Linear: x @ W.T + b)
    out = embeds @ out_weight.T + out_bias  # [B, VOCAB]
    return out

if __name__ == "__main__":
    import jax
    _d = setup_inputs()
    print(jax.jit(kernel)(*tuple(_d.values())))

</pallas_src>

<mosaic_0001>
#map = affine_map<(d0, d1) -> (0)>
#map1 = affine_map<(d0, d1) -> (0, 0)>
module attributes {stable_mosaic.version = 14 : i64} {
  func.func @gather(%arg0: i32, %arg1: i32, %arg2: memref<1600000xf32, #tpu.memory_space<hbm>>, %arg3: memref<1024xi32, #tpu.memory_space<hbm>>, %arg4: memref<17x1024xf32, #tpu.memory_space<hbm>>, %arg5: memref<32xi32, #tpu.memory_space<vmem>>, %arg6: memref<17x32xf32, #tpu.memory_space<vmem>>, %arg7: memref<!tpu.dma_semaphore, #tpu.memory_space<semaphore_mem>>) attributes {dimension_semantics = [#tpu.dimension_semantics<core_parallel>, #tpu.dimension_semantics<subcore_parallel>], iteration_bounds = array<i64: 2, 16>, scalar_prefetch = 0 : i64, scratch_operands = 3 : i64, tpu.core_type = #tpu.core_type<sc_vector_subcore>, window_params = [{transform_indices = #map}, {transform_indices = #map}, {transform_indices = #map1}]} {
    %mul3A = arith.constant 2 : i32
    %mul3A_0 = arith.muli %arg1, %mul3A : i32
    %add3A = arith.addi %mul3A_0, %arg0 : i32
    %mul3A_1 = arith.constant 32 : i32
    %mul3A_2 = arith.muli %add3A, %mul3A_1 : i32
    "tpu.region"() ({
      %run_scoped3A = tpu.sem_alloc : memref<!tpu.dma_semaphore, #tpu.memory_space<semaphore_mem>>
      %dma_start3A_500 = tpu.memref_slice %arg3[%mul3A_2] : memref<1024xi32, #tpu.memory_space<hbm>> -> memref<32xi32, #tpu.memory_space<hbm>>
      %dma_start3A_501 = tpu.memref_slice %arg3[%mul3A_2] : memref<1024xi32, #tpu.memory_space<hbm>> -> memref<32xi32, #tpu.memory_space<hbm>>
      tpu.enqueue_dma source(%dma_start3A_501 : memref<32xi32, #tpu.memory_space<hbm>>) target(%arg5 : memref<32xi32, #tpu.memory_space<vmem>>) target_semaphore(%run_scoped3A : memref<!tpu.dma_semaphore, #tpu.memory_space<semaphore_mem>>)
      %dma_wait3A_502 = tpu.memref_slice %arg3[%mul3A_2] : memref<1024xi32, #tpu.memory_space<hbm>> -> memref<32xi32, #tpu.memory_space<hbm>>
      %dma_wait3A_503 = tpu.memref_slice %arg3[%mul3A_2] : memref<1024xi32, #tpu.memory_space<hbm>> -> memref<32xi32, #tpu.memory_space<hbm>>
      tpu.wait_dma2 semaphore(%run_scoped3A : memref<!tpu.dma_semaphore, #tpu.memory_space<semaphore_mem>>) src(%dma_wait3A_503 : memref<32xi32, #tpu.memory_space<hbm>>) dst(%arg5 : memref<32xi32, #tpu.memory_space<vmem>>)
      tpu.yield
    }) : () -> ()
    %get3A = arith.constant 0 : index
    %get3A_3 = tpu.vector_load %arg5[%get3A] {strides = array<i32>} : memref<32xi32, #tpu.memory_space<vmem>>, vector<16xi32>,
    %get3A_4 = vector.shape_cast %get3A_3 : vector<16xi32> to vector<16xi32>
    %add3A_5 = arith.constant 0 : i32
    %add3A_6 = vector.broadcast %add3A_5 : i32 to vector<16xi32>
    %add3A_7 = arith.addi %get3A_4, %add3A_6 : vector<16xi32>
    %dma_start3A = arith.constant 0 : i32
    %dma_start3A_8 = arith.constant 0 : i32
    %dma_start3A_9 = tpu.memref_slice %arg6[%dma_start3A, %dma_start3A_8] : memref<17x32xf32, #tpu.memory_space<vmem>> -> memref<1x16xf32, #tpu.memory_space<vmem>>
    %dma_start3A_10 = tpu.memref_squeeze %dma_start3A_9 : memref<1x16xf32, #tpu.memory_space<vmem>> -> memref<16xf32, #tpu.memory_space<vmem>>
    %dma_start3A_11 = arith.constant 0 : i32
    %dma_start3A_12 = tpu.memref_slice %arg2[%dma_start3A_11] : memref<1600000xf32, #tpu.memory_space<hbm>> -> memref<1600000xf32, #tpu.memory_space<hbm>>
    tpu.enqueue_indirect_dma source(%dma_start3A_12 : memref<1600000xf32, #tpu.memory_space<hbm>>) target(%dma_start3A_10 : memref<16xf32, #tpu.memory_space<vmem>>) offsets(%add3A_7 : vector<16xi32>) semaphore(%arg7 : memref<!tpu.dma_semaphore, #tpu.memory_space<semaphore_mem>>)
    %add3A_13 = arith.constant 100000 : i32
    %add3A_14 = vector.broadcast %add3A_13 : i32 to vector<16xi32>
    %add3A_15 = arith.addi %get3A_4, %add3A_14 : vector<16xi32>
    %dma_start3A_16 = arith.constant 1 : i32
    %dma_start3A_17 = arith.constant 0 : i32
    %dma_start3A_18 = tpu.memref_slice %arg6[%dma_start3A_16, %dma_start3A_17] : memref<17x32xf32, #tpu.memory_space<vmem>> -> memref<1x16xf32, #tpu.memory_space<vmem>>
    %dma_start3A_19 = tpu.memref_squeeze %dma_start3A_18 : memref<1x16xf32, #tpu.memory_space<vmem>> -> memref<16xf32, #tpu.memory_space<vmem>>
    %dma_start3A_20 = arith.constant 0 : i32
    %dma_start3A_21 = tpu.memref_slice %arg2[%dma_start3A_20] : memref<1600000xf32, #tpu.memory_space<hbm>> -> memref<1600000xf32, #tpu.memory_space<hbm>>
    tpu.enqueue_indirect_dma source(%dma_start3A_21 : memref<1600000xf32, #tpu.memory_space<hbm>>) target(%dma_start3A_19 : memref<16xf32, #tpu.memory_space<vmem>>) offsets(%add3A_15 : vector<16xi32>) semaphore(%arg7 : memref<!tpu.dma_semaphore, #tpu.memory_space<semaphore_mem>>)
    %add3A_22 = arith.constant 200000 : i32
    %add3A_23 = vector.broadcast %add3A_22 : i32 to vector<16xi32>
    %add3A_24 = arith.addi %get3A_4, %add3A_23 : vector<16xi32>
    %dma_start3A_25 = arith.constant 2 : i32
    %dma_start3A_26 = arith.constant 0 : i32
    %dma_start3A_27 = tpu.memref_slice %arg6[%dma_start3A_25, %dma_start3A_26] : memref<17x32xf32, #tpu.memory_space<vmem>> -> memref<1x16xf32, #tpu.memory_space<vmem>>
    %dma_start3A_28 = tpu.memref_squeeze %dma_start3A_27 : memref<1x16xf32, #tpu.memory_space<vmem>> -> memref<16xf32, #tpu.memory_space<vmem>>
    %dma_start3A_29 = arith.constant 0 : i32
    %dma_start3A_30 = tpu.memref_slice %arg2[%dma_start3A_29] : memref<1600000xf32, #tpu.memory_space<hbm>> -> memref<1600000xf32, #tpu.memory_space<hbm>>
    tpu.enqueue_indirect_dma source(%dma_start3A_30 : memref<1600000xf32, #tpu.memory_space<hbm>>) target(%dma_start3A_28 : memref<16xf32, #tpu.memory_space<vmem>>) offsets(%add3A_24 : vector<16xi32>) semaphore(%arg7 : memref<!tpu.dma_semaphore, #tpu.memory_space<semaphore_mem>>)
    %add3A_31 = arith.constant 300000 : i32
    %add3A_32 = vector.broadcast %add3A_31 : i32 to vector<16xi32>
    %add3A_33 = arith.addi %get3A_4, %add3A_32 : vector<16xi32>
    %dma_start3A_34 = arith.constant 3 : i32
    %dma_start3A_35 = arith.constant 0 : i32
    %dma_start3A_36 = tpu.memref_slice %arg6[%dma_start3A_34, %dma_start3A_35] : memref<17x32xf32, #tpu.memory_space<vmem>> -> memref<1x16xf32, #tpu.memory_space<vmem>>
    %dma_start3A_37 = tpu.memref_squeeze %dma_start3A_36 : memref<1x16xf32, #tpu.memory_space<vmem>> -> memref<16xf32, #tpu.memory_space<vmem>>
    %dma_start3A_38 = arith.constant 0 : i32
    %dma_start3A_39 = tpu.memref_slice %arg2[%dma_start3A_38] : memref<1600000xf32, #tpu.memory_space<hbm>> -> memref<1600000xf32, #tpu.memory_space<hbm>>
    tpu.enqueue_indirect_dma source(%dma_start3A_39 : memref<1600000xf32, #tpu.memory_space<hbm>>) target(%dma_start3A_37 : memref<16xf32, #tpu.memory_space<vmem>>) offsets(%add3A_33 : vector<16xi32>) semaphore(%arg7 : memref<!tpu.dma_semaphore, #tpu.memory_space<semaphore_mem>>)
    %add3A_40 = arith.constant 400000 : i32
    %add3A_41 = vector.broadcast %add3A_40 : i32 to vector<16xi32>
    %add3A_42 = arith.addi %get3A_4, %add3A_41 : vector<16xi32>
    %dma_start3A_43 = arith.constant 4 : i32
    %dma_start3A_44 = arith.constant 0 : i32
    %dma_start3A_45 = tpu.memref_slice %arg6[%dma_start3A_43, %dma_start3A_44] : memref<17x32xf32, #tpu.memory_space<vmem>> -> memref<1x16xf32, #tpu.memory_space<vmem>>
    %dma_start3A_46 = tpu.memref_squeeze %dma_start3A_45 : memref<1x16xf32, #tpu.memory_space<vmem>> -> memref<16xf32, #tpu.memory_space<vmem>>
    %dma_start3A_47 = arith.constant 0 : i32
    %dma_start3A_48 = tpu.memref_slice %arg2[%dma_start3A_47] : memref<1600000xf32, #tpu.memory_space<hbm>> -> memref<1600000xf32, #tpu.memory_space<hbm>>
    tpu.enqueue_indirect_dma source(%dma_start3A_48 : memref<1600000xf32, #tpu.memory_space<hbm>>) target(%dma_start3A_46 : memref<16xf32, #tpu.memory_space<vmem>>) offsets(%add3A_42 : vector<16xi32>) semaphore(%arg7 : memref<!tpu.dma_semaphore, #tpu.memory_space<semaphore_mem>>)
    %add3A_49 = arith.constant 500000 : i32
    %add3A_50 = vector.broadcast %add3A_49 : i32 to vector<16xi32>
    %add3A_51 = arith.addi %get3A_4, %add3A_50 : vector<16xi32>
    %dma_start3A_52 = arith.constant 5 : i32
    %dma_start3A_53 = arith.constant 0 : i32
    %dma_start3A_54 = tpu.memref_slice %arg6[%dma_start3A_52, %dma_start3A_53] : memref<17x32xf32, #tpu.memory_space<vmem>> -> memref<1x16xf32, #tpu.memory_space<vmem>>
    %dma_start3A_55 = tpu.memref_squeeze %dma_start3A_54 : memref<1x16xf32, #tpu.memory_space<vmem>> -> memref<16xf32, #tpu.memory_space<vmem>>
    %dma_start3A_56 = arith.constant 0 : i32
    %dma_start3A_57 = tpu.memref_slice %arg2[%dma_start3A_56] : memref<1600000xf32, #tpu.memory_space<hbm>> -> memref<1600000xf32, #tpu.memory_space<hbm>>
    tpu.enqueue_indirect_dma source(%dma_start3A_57 : memref<1600000xf32, #tpu.memory_space<hbm>>) target(%dma_start3A_55 : memref<16xf32, #tpu.memory_space<vmem>>) offsets(%add3A_51 : vector<16xi32>) semaphore(%arg7 : memref<!tpu.dma_semaphore, #tpu.memory_space<semaphore_mem>>)
    %add3A_58 = arith.constant 600000 : i32
    %add3A_59 = vector.broadcast %add3A_58 : i32 to vector<16xi32>
    %add3A_60 = arith.addi %get3A_4, %add3A_59 : vector<16xi32>
    %dma_start3A_61 = arith.constant 6 : i32
    %dma_start3A_62 = arith.constant 0 : i32
    %dma_start3A_63 = tpu.memref_slice %arg6[%dma_start3A_61, %dma_start3A_62] : memref<17x32xf32, #tpu.memory_space<vmem>> -> memref<1x16xf32, #tpu.memory_space<vmem>>
    %dma_start3A_64 = tpu.memref_squeeze %dma_start3A_63 : memref<1x16xf32, #tpu.memory_space<vmem>> -> memref<16xf32, #tpu.memory_space<vmem>>
    %dma_start3A_65 = arith.constant 0 : i32
    %dma_start3A_66 = tpu.memref_slice %arg2[%dma_start3A_65] : memref<1600000xf32, #tpu.memory_space<hbm>> -> memref<1600000xf32, #tpu.memory_space<hbm>>
    tpu.enqueue_indirect_dma source(%dma_start3A_66 : memref<1600000xf32, #tpu.memory_space<hbm>>) target(%dma_start3A_64 : memref<16xf32, #tpu.memory_space<vmem>>) offsets(%add3A_60 : vector<16xi32>) semaphore(%arg7 : memref<!tpu.dma_semaphore, #tpu.memory_space<semaphore_mem>>)
    %add3A_67 = arith.constant 700000 : i32
    %add3A_68 = vector.broadcast %add3A_67 : i32 to vector<16xi32>
    %add3A_69 = arith.addi %get3A_4, %add3A_68 : vector<16xi32>
    %dma_start3A_70 = arith.constant 7 : i32
    %dma_start3A_71 = arith.constant 0 : i32
    %dma_start3A_72 = tpu.memref_slice %arg6[%dma_start3A_70, %dma_start3A_71] : memref<17x32xf32, #tpu.memory_space<vmem>> -> memref<1x16xf32, #tpu.memory_space<vmem>>
    %dma_start3A_73 = tpu.memref_squeeze %dma_start3A_72 : memref<1x16xf32, #tpu.memory_space<vmem>> -> memref<16xf32, #tpu.memory_space<vmem>>
    %dma_start3A_74 = arith.constant 0 : i32
    %dma_start3A_75 = tpu.memref_slice %arg2[%dma_start3A_74] : memref<1600000xf32, #tpu.memory_space<hbm>> -> memref<1600000xf32, #tpu.memory_space<hbm>>
    tpu.enqueue_indirect_dma source(%dma_start3A_75 : memref<1600000xf32, #tpu.memory_space<hbm>>) target(%dma_start3A_73 : memref<16xf32, #tpu.memory_space<vmem>>) offsets(%add3A_69 : vector<16xi32>) semaphore(%arg7 : memref<!tpu.dma_semaphore, #tpu.memory_space<semaphore_mem>>)
    %add3A_76 = arith.constant 800000 : i32
    %add3A_77 = vector.broadcast %add3A_76 : i32 to vector<16xi32>
    %add3A_78 = arith.addi %get3A_4, %add3A_77 : vector<16xi32>
    %dma_start3A_79 = arith.constant 8 : i32
    %dma_start3A_80 = arith.constant 0 : i32
    %dma_start3A_81 = tpu.memref_slice %arg6[%dma_start3A_79, %dma_start3A_80] : memref<17x32xf32, #tpu.memory_space<vmem>> -> memref<1x16xf32, #tpu.memory_space<vmem>>
    %dma_start3A_82 = tpu.memref_squeeze %dma_start3A_81 : memref<1x16xf32, #tpu.memory_space<vmem>> -> memref<16xf32, #tpu.memory_space<vmem>>
    %dma_start3A_83 = arith.constant 0 : i32
    %dma_start3A_84 = tpu.memref_slice %arg2[%dma_start3A_83] : memref<1600000xf32, #tpu.memory_space<hbm>> -> memref<1600000xf32, #tpu.memory_space<hbm>>
    tpu.enqueue_indirect_dma source(%dma_start3A_84 : memref<1600000xf32, #tpu.memory_space<hbm>>) target(%dma_start3A_82 : memref<16xf32, #tpu.memory_space<vmem>>) offsets(%add3A_78 : vector<16xi32>) semaphore(%arg7 : memref<!tpu.dma_semaphore, #tpu.memory_space<semaphore_mem>>)
    %add3A_85 = arith.constant 900000 : i32
    %add3A_86 = vector.broadcast %add3A_85 : i32 to vector<16xi32>
    %add3A_87 = arith.addi %get3A_4, %add3A_86 : vector<16xi32>
    %dma_start3A_88 = arith.constant 9 : i32
    %dma_start3A_89 = arith.constant 0 : i32
    %dma_start3A_90 = tpu.memref_slice %arg6[%dma_start3A_88, %dma_start3A_89] : memref<17x32xf32, #tpu.memory_space<vmem>> -> memref<1x16xf32, #tpu.memory_space<vmem>>
    %dma_start3A_91 = tpu.memref_squeeze %dma_start3A_90 : memref<1x16xf32, #tpu.memory_space<vmem>> -> memref<16xf32, #tpu.memory_space<vmem>>
    %dma_start3A_92 = arith.constant 0 : i32
    %dma_start3A_93 = tpu.memref_slice %arg2[%dma_start3A_92] : memref<1600000xf32, #tpu.memory_space<hbm>> -> memref<1600000xf32, #tpu.memory_space<hbm>>
    tpu.enqueue_indirect_dma source(%dma_start3A_93 : memref<1600000xf32, #tpu.memory_space<hbm>>) target(%dma_start3A_91 : memref<16xf32, #tpu.memory_space<vmem>>) offsets(%add3A_87 : vector<16xi32>) semaphore(%arg7 : memref<!tpu.dma_semaphore, #tpu.memory_space<semaphore_mem>>)
    %add3A_94 = arith.constant 1000000 : i32
    %add3A_95 = vector.broadcast %add3A_94 : i32 to vector<16xi32>
    %add3A_96 = arith.addi %get3A_4, %add3A_95 : vector<16xi32>
    %dma_start3A_97 = arith.constant 10 : i32
    %dma_start3A_98 = arith.constant 0 : i32
    %dma_start3A_99 = tpu.memref_slice %arg6[%dma_start3A_97, %dma_start3A_98] : memref<17x32xf32, #tpu.memory_space<vmem>> -> memref<1x16xf32, #tpu.memory_space<vmem>>
    %dma_start3A_100 = tpu.memref_squeeze %dma_start3A_99 : memref<1x16xf32, #tpu.memory_space<vmem>> -> memref<16xf32, #tpu.memory_space<vmem>>
    %dma_start3A_101 = arith.constant 0 : i32
    %dma_start3A_102 = tpu.memref_slice %arg2[%dma_start3A_101] : memref<1600000xf32, #tpu.memory_space<hbm>> -> memref<1600000xf32, #tpu.memory_space<hbm>>
    tpu.enqueue_indirect_dma source(%dma_start3A_102 : memref<1600000xf32, #tpu.memory_space<hbm>>) target(%dma_start3A_100 : memref<16xf32, #tpu.memory_space<vmem>>) offsets(%add3A_96 : vector<16xi32>) semaphore(%arg7 : memref<!tpu.dma_semaphore, #tpu.memory_space<semaphore_mem>>)
    %add3A_103 = arith.constant 1100000 : i32
    %add3A_104 = vector.broadcast %add3A_103 : i32 to vector<16xi32>
    %add3A_105 = arith.addi %get3A_4, %add3A_104 : vector<16xi32>
    %dma_start3A_106 = arith.constant 11 : i32
    %dma_start3A_107 = arith.constant 0 : i32
    %dma_start3A_108 = tpu.memref_slice %arg6[%dma_start3A_106, %dma_start3A_107] : memref<17x32xf32, #tpu.memory_space<vmem>> -> memref<1x16xf32, #tpu.memory_space<vmem>>
    %dma_start3A_109 = tpu.memref_squeeze %dma_start3A_108 : memref<1x16xf32, #tpu.memory_space<vmem>> -> memref<16xf32, #tpu.memory_space<vmem>>
    %dma_start3A_110 = arith.constant 0 : i32
    %dma_start3A_111 = tpu.memref_slice %arg2[%dma_start3A_110] : memref<1600000xf32, #tpu.memory_space<hbm>> -> memref<1600000xf32, #tpu.memory_space<hbm>>
    tpu.enqueue_indirect_dma source(%dma_start3A_111 : memref<1600000xf32, #tpu.memory_space<hbm>>) target(%dma_start3A_109 : memref<16xf32, #tpu.memory_space<vmem>>) offsets(%add3A_105 : vector<16xi32>) semaphore(%arg7 : memref<!tpu.dma_semaphore, #tpu.memory_space<semaphore_mem>>)
    %add3A_112 = arith.constant 1200000 : i32
    %add3A_113 = vector.broadcast %add3A_112 : i32 to vector<16xi32>
    %add3A_114 = arith.addi %get3A_4, %add3A_113 : vector<16xi32>
    %dma_start3A_115 = arith.constant 12 : i32
    %dma_start3A_116 = arith.constant 0 : i32
    %dma_start3A_117 = tpu.memref_slice %arg6[%dma_start3A_115, %dma_start3A_116] : memref<17x32xf32, #tpu.memory_space<vmem>> -> memref<1x16xf32, #tpu.memory_space<vmem>>
    %dma_start3A_118 = tpu.memref_squeeze %dma_start3A_117 : memref<1x16xf32, #tpu.memory_space<vmem>> -> memref<16xf32, #tpu.memory_space<vmem>>
    %dma_start3A_119 = arith.constant 0 : i32
    %dma_start3A_120 = tpu.memref_slice %arg2[%dma_start3A_119] : memref<1600000xf32, #tpu.memory_space<hbm>> -> memref<1600000xf32, #tpu.memory_space<hbm>>
    tpu.enqueue_indirect_dma source(%dma_start3A_120 : memref<1600000xf32, #tpu.memory_space<hbm>>) target(%dma_start3A_118 : memref<16xf32, #tpu.memory_space<vmem>>) offsets(%add3A_114 : vector<16xi32>) semaphore(%arg7 : memref<!tpu.dma_semaphore, #tpu.memory_space<semaphore_mem>>)
    %add3A_121 = arith.constant 1300000 : i32
    %add3A_122 = vector.broadcast %add3A_121 : i32 to vector<16xi32>
    %add3A_123 = arith.addi %get3A_4, %add3A_122 : vector<16xi32>
    %dma_start3A_124 = arith.constant 13 : i32
    %dma_start3A_125 = arith.constant 0 : i32
    %dma_start3A_126 = tpu.memref_slice %arg6[%dma_start3A_124, %dma_start3A_125] : memref<17x32xf32, #tpu.memory_space<vmem>> -> memref<1x16xf32, #tpu.memory_space<vmem>>
    %dma_start3A_127 = tpu.memref_squeeze %dma_start3A_126 : memref<1x16xf32, #tpu.memory_space<vmem>> -> memref<16xf32, #tpu.memory_space<vmem>>
    %dma_start3A_128 = arith.constant 0 : i32
    %dma_start3A_129 = tpu.memref_slice %arg2[%dma_start3A_128] : memref<1600000xf32, #tpu.memory_space<hbm>> -> memref<1600000xf32, #tpu.memory_space<hbm>>
    tpu.enqueue_indirect_dma source(%dma_start3A_129 : memref<1600000xf32, #tpu.memory_space<hbm>>) target(%dma_start3A_127 : memref<16xf32, #tpu.memory_space<vmem>>) offsets(%add3A_123 : vector<16xi32>) semaphore(%arg7 : memref<!tpu.dma_semaphore, #tpu.memory_space<semaphore_mem>>)
    %add3A_130 = arith.constant 1400000 : i32
    %add3A_131 = vector.broadcast %add3A_130 : i32 to vector<16xi32>
    %add3A_132 = arith.addi %get3A_4, %add3A_131 : vector<16xi32>
    %dma_start3A_133 = arith.constant 14 : i32
    %dma_start3A_134 = arith.constant 0 : i32
    %dma_start3A_135 = tpu.memref_slice %arg6[%dma_start3A_133, %dma_start3A_134] : memref<17x32xf32, #tpu.memory_space<vmem>> -> memref<1x16xf32, #tpu.memory_space<vmem>>
    %dma_start3A_136 = tpu.memref_squeeze %dma_start3A_135 : memref<1x16xf32, #tpu.memory_space<vmem>> -> memref<16xf32, #tpu.memory_space<vmem>>
    %dma_start3A_137 = arith.constant 0 : i32
    %dma_start3A_138 = tpu.memref_slice %arg2[%dma_start3A_137] : memref<1600000xf32, #tpu.memory_space<hbm>> -> memref<1600000xf32, #tpu.memory_space<hbm>>
    tpu.enqueue_indirect_dma source(%dma_start3A_138 : memref<1600000xf32, #tpu.memory_space<hbm>>) target(%dma_start3A_136 : memref<16xf32, #tpu.memory_space<vmem>>) offsets(%add3A_132 : vector<16xi32>) semaphore(%arg7 : memref<!tpu.dma_semaphore, #tpu.memory_space<semaphore_mem>>)
    %add3A_139 = arith.constant 1500000 : i32
    %add3A_140 = vector.broadcast %add3A_139 : i32 to vector<16xi32>
    %add3A_141 = arith.addi %get3A_4, %add3A_140 : vector<16xi32>
    %dma_start3A_142 = arith.constant 15 : i32
    %dma_start3A_143 = arith.constant 0 : i32
    %dma_start3A_144 = tpu.memref_slice %arg6[%dma_start3A_142, %dma_start3A_143] : memref<17x32xf32, #tpu.memory_space<vmem>> -> memref<1x16xf32, #tpu.memory_space<vmem>>
    %dma_start3A_145 = tpu.memref_squeeze %dma_start3A_144 : memref<1x16xf32, #tpu.memory_space<vmem>> -> memref<16xf32, #tpu.memory_space<vmem>>
    %dma_start3A_146 = arith.constant 0 : i32
    %dma_start3A_147 = tpu.memref_slice %arg2[%dma_start3A_146] : memref<1600000xf32, #tpu.memory_space<hbm>> -> memref<1600000xf32, #tpu.memory_space<hbm>>
    tpu.enqueue_indirect_dma source(%dma_start3A_147 : memref<1600000xf32, #tpu.memory_space<hbm>>) target(%dma_start3A_145 : memref<16xf32, #tpu.memory_space<vmem>>) offsets(%add3A_141 : vector<16xi32>) semaphore(%arg7 : memref<!tpu.dma_semaphore, #tpu.memory_space<semaphore_mem>>)
    %get3A_148 = arith.constant 16 : index
    %get3A_149 = tpu.vector_load %arg5[%get3A_148] {strides = array<i32>} : memref<32xi32, #tpu.memory_space<vmem>>, vector<16xi32>,
    %get3A_150 = vector.shape_cast %get3A_149 : vector<16xi32> to vector<16xi32>
    %add3A_151 = arith.constant 0 : i32
    %add3A_152 = vector.broadcast %add3A_151 : i32 to vector<16xi32>
    %add3A_153 = arith.addi %get3A_150, %add3A_152 : vector<16xi32>
    %dma_start3A_154 = arith.constant 0 : i32
    %dma_start3A_155 = arith.constant 16 : i32
    %dma_start3A_156 = tpu.memref_slice %arg6[%dma_start3A_154, %dma_start3A_155] : memref<17x32xf32, #tpu.memory_space<vmem>> -> memref<1x16xf32, #tpu.memory_space<vmem>>
    %dma_start3A_157 = tpu.memref_squeeze %dma_start3A_156 : memref<1x16xf32, #tpu.memory_space<vmem>> -> memref<16xf32, #tpu.memory_space<vmem>>
    %dma_start3A_158 = arith.constant 0 : i32
    %dma_start3A_159 = tpu.memref_slice %arg2[%dma_start3A_158] : memref<1600000xf32, #tpu.memory_space<hbm>> -> memref<1600000xf32, #tpu.memory_space<hbm>>
    tpu.enqueue_indirect_dma source(%dma_start3A_159 : memref<1600000xf32, #tpu.memory_space<hbm>>) target(%dma_start3A_157 : memref<16xf32, #tpu.memory_space<vmem>>) offsets(%add3A_153 : vector<16xi32>) semaphore(%arg7 : memref<!tpu.dma_semaphore, #tpu.memory_space<semaphore_mem>>)
    %add3A_160 = arith.constant 100000 : i32
    %add3A_161 = vector.broadcast %add3A_160 : i32 to vector<16xi32>
    %add3A_162 = arith.addi %get3A_150, %add3A_161 : vector<16xi32>
    %dma_start3A_163 = arith.constant 1 : i32
    %dma_start3A_164 = arith.constant 16 : i32
    %dma_start3A_165 = tpu.memref_slice %arg6[%dma_start3A_163, %dma_start3A_164] : memref<17x32xf32, #tpu.memory_space<vmem>> -> memref<1x16xf32, #tpu.memory_space<vmem>>
    %dma_start3A_166 = tpu.memref_squeeze %dma_start3A_165 : memref<1x16xf32, #tpu.memory_space<vmem>> -> memref<16xf32, #tpu.memory_space<vmem>>
    %dma_start3A_167 = arith.constant 0 : i32
    %dma_start3A_168 = tpu.memref_slice %arg2[%dma_start3A_167] : memref<1600000xf32, #tpu.memory_space<hbm>> -> memref<1600000xf32, #tpu.memory_space<hbm>>
    tpu.enqueue_indirect_dma source(%dma_start3A_168 : memref<1600000xf32, #tpu.memory_space<hbm>>) target(%dma_start3A_166 : memref<16xf32, #tpu.memory_space<vmem>>) offsets(%add3A_162 : vector<16xi32>) semaphore(%arg7 : memref<!tpu.dma_semaphore, #tpu.memory_space<semaphore_mem>>)
    %add3A_169 = arith.constant 200000 : i32
    %add3A_170 = vector.broadcast %add3A_169 : i32 to vector<16xi32>
    %add3A_171 = arith.addi %get3A_150, %add3A_170 : vector<16xi32>
    %dma_start3A_172 = arith.constant 2 : i32
    %dma_start3A_173 = arith.constant 16 : i32
    %dma_start3A_174 = tpu.memref_slice %arg6[%dma_start3A_172, %dma_start3A_173] : memref<17x32xf32, #tpu.memory_space<vmem>> -> memref<1x16xf32, #tpu.memory_space<vmem>>
    %dma_start3A_175 = tpu.memref_squeeze %dma_start3A_174 : memref<1x16xf32, #tpu.memory_space<vmem>> -> memref<16xf32, #tpu.memory_space<vmem>>
    %dma_start3A_176 = arith.constant 0 : i32
    %dma_start3A_177 = tpu.memref_slice %arg2[%dma_start3A_176] : memref<1600000xf32, #tpu.memory_space<hbm>> -> memref<1600000xf32, #tpu.memory_space<hbm>>
    tpu.enqueue_indirect_dma source(%dma_start3A_177 : memref<1600000xf32, #tpu.memory_space<hbm>>) target(%dma_start3A_175 : memref<16xf32, #tpu.memory_space<vmem>>) offsets(%add3A_171 : vector<16xi32>) semaphore(%arg7 : memref<!tpu.dma_semaphore, #tpu.memory_space<semaphore_mem>>)
    %add3A_178 = arith.constant 300000 : i32
    %add3A_179 = vector.broadcast %add3A_178 : i32 to vector<16xi32>
    %add3A_180 = arith.addi %get3A_150, %add3A_179 : vector<16xi32>
    %dma_start3A_181 = arith.constant 3 : i32
    %dma_start3A_182 = arith.constant 16 : i32
    %dma_start3A_183 = tpu.memref_slice %arg6[%dma_start3A_181, %dma_start3A_182] : memref<17x32xf32, #tpu.memory_space<vmem>> -> memref<1x16xf32, #tpu.memory_space<vmem>>
    %dma_start3A_184 = tpu.memref_squeeze %dma_start3A_183 : memref<1x16xf32, #tpu.memory_space<vmem>> -> memref<16xf32, #tpu.memory_space<vmem>>
    %dma_start3A_185 = arith.constant 0 : i32
    %dma_start3A_186 = tpu.memref_slice %arg2[%dma_start3A_185] : memref<1600000xf32, #tpu.memory_space<hbm>> -> memref<1600000xf32, #tpu.memory_space<hbm>>
    tpu.enqueue_indirect_dma source(%dma_start3A_186 : memref<1600000xf32, #tpu.memory_space<hbm>>) target(%dma_start3A_184 : memref<16xf32, #tpu.memory_space<vmem>>) offsets(%add3A_180 : vector<16xi32>) semaphore(%arg7 : memref<!tpu.dma_semaphore, #tpu.memory_space<semaphore_mem>>)
    %add3A_187 = arith.constant 400000 : i32
    %add3A_188 = vector.broadcast %add3A_187 : i32 to vector<16xi32>
    %add3A_189 = arith.addi %get3A_150, %add3A_188 : vector<16xi32>
    %dma_start3A_190 = arith.constant 4 : i32
    %dma_start3A_191 = arith.constant 16 : i32
    %dma_start3A_192 = tpu.memref_slice %arg6[%dma_start3A_190, %dma_start3A_191] : memref<17x32xf32, #tpu.memory_space<vmem>> -> memref<1x16xf32, #tpu.memory_space<vmem>>
    %dma_start3A_193 = tpu.memref_squeeze %dma_start3A_192 : memref<1x16xf32, #tpu.memory_space<vmem>> -> memref<16xf32, #tpu.memory_space<vmem>>
    %dma_start3A_194 = arith.constant 0 : i32
    %dma_start3A_195 = tpu.memref_slice %arg2[%dma_start3A_194] : memref<1600000xf32, #tpu.memory_space<hbm>> -> memref<1600000xf32, #tpu.memory_space<hbm>>
    tpu.enqueue_indirect_dma source(%dma_start3A_195 : memref<1600000xf32, #tpu.memory_space<hbm>>) target(%dma_start3A_193 : memref<16xf32, #tpu.memory_space<vmem>>) offsets(%add3A_189 : vector<16xi32>) semaphore(%arg7 : memref<!tpu.dma_semaphore, #tpu.memory_space<semaphore_mem>>)
    %add3A_196 = arith.constant 500000 : i32
    %add3A_197 = vector.broadcast %add3A_196 : i32 to vector<16xi32>
    %add3A_198 = arith.addi %get3A_150, %add3A_197 : vector<16xi32>
    %dma_start3A_199 = arith.constant 5 : i32
    %dma_start3A_200 = arith.constant 16 : i32
    %dma_start3A_201 = tpu.memref_slice %arg6[%dma_start3A_199, %dma_start3A_200] : memref<17x32xf32, #tpu.memory_space<vmem>> -> memref<1x16xf32, #tpu.memory_space<vmem>>
    %dma_start3A_202 = tpu.memref_squeeze %dma_start3A_201 : memref<1x16xf32, #tpu.memory_space<vmem>> -> memref<16xf32, #tpu.memory_space<vmem>>
    %dma_start3A_203 = arith.constant 0 : i32
    %dma_start3A_204 = tpu.memref_slice %arg2[%dma_start3A_203] : memref<1600000xf32, #tpu.memory_space<hbm>> -> memref<1600000xf32, #tpu.memory_space<hbm>>
    tpu.enqueue_indirect_dma source(%dma_start3A_204 : memref<1600000xf32, #tpu.memory_space<hbm>>) target(%dma_start3A_202 : memref<16xf32, #tpu.memory_space<vmem>>) offsets(%add3A_198 : vector<16xi32>) semaphore(%arg7 : memref<!tpu.dma_semaphore, #tpu.memory_space<semaphore_mem>>)
    %add3A_205 = arith.constant 600000 : i32
    %add3A_206 = vector.broadcast %add3A_205 : i32 to vector<16xi32>
    %add3A_207 = arith.addi %get3A_150, %add3A_206 : vector<16xi32>
    %dma_start3A_208 = arith.constant 6 : i32
    %dma_start3A_209 = arith.constant 16 : i32
    %dma_start3A_210 = tpu.memref_slice %arg6[%dma_start3A_208, %dma_start3A_209] : memref<17x32xf32, #tpu.memory_space<vmem>> -> memref<1x16xf32, #tpu.memory_space<vmem>>
    %dma_start3A_211 = tpu.memref_squeeze %dma_start3A_210 : memref<1x16xf32, #tpu.memory_space<vmem>> -> memref<16xf32, #tpu.memory_space<vmem>>
    %dma_start3A_212 = arith.constant 0 : i32
    %dma_start3A_213 = tpu.memref_slice %arg2[%dma_start3A_212] : memref<1600000xf32, #tpu.memory_space<hbm>> -> memref<1600000xf32, #tpu.memory_space<hbm>>
    tpu.enqueue_indirect_dma source(%dma_start3A_213 : memref<1600000xf32, #tpu.memory_space<hbm>>) target(%dma_start3A_211 : memref<16xf32, #tpu.memory_space<vmem>>) offsets(%add3A_207 : vector<16xi32>) semaphore(%arg7 : memref<!tpu.dma_semaphore, #tpu.memory_space<semaphore_mem>>)
    %add3A_214 = arith.constant 700000 : i32
    %add3A_215 = vector.broadcast %add3A_214 : i32 to vector<16xi32>
    %add3A_216 = arith.addi %get3A_150, %add3A_215 : vector<16xi32>
    %dma_start3A_217 = arith.constant 7 : i32
    %dma_start3A_218 = arith.constant 16 : i32
    %dma_start3A_219 = tpu.memref_slice %arg6[%dma_start3A_217, %dma_start3A_218] : memref<17x32xf32, #tpu.memory_space<vmem>> -> memref<1x16xf32, #tpu.memory_space<vmem>>
    %dma_start3A_220 = tpu.memref_squeeze %dma_start3A_219 : memref<1x16xf32, #tpu.memory_space<vmem>> -> memref<16xf32, #tpu.memory_space<vmem>>
    %dma_start3A_221 = arith.constant 0 : i32
    %dma_start3A_222 = tpu.memref_slice %arg2[%dma_start3A_221] : memref<1600000xf32, #tpu.memory_space<hbm>> -> memref<1600000xf32, #tpu.memory_space<hbm>>
    tpu.enqueue_indirect_dma source(%dma_start3A_222 : memref<1600000xf32, #tpu.memory_space<hbm>>) target(%dma_start3A_220 : memref<16xf32, #tpu.memory_space<vmem>>) offsets(%add3A_216 : vector<16xi32>) semaphore(%arg7 : memref<!tpu.dma_semaphore, #tpu.memory_space<semaphore_mem>>)
    %add3A_223 = arith.constant 800000 : i32
    %add3A_224 = vector.broadcast %add3A_223 : i32 to vector<16xi32>
    %add3A_225 = arith.addi %get3A_150, %add3A_224 : vector<16xi32>
    %dma_start3A_226 = arith.constant 8 : i32
    %dma_start3A_227 = arith.constant 16 : i32
    %dma_start3A_228 = tpu.memref_slice %arg6[%dma_start3A_226, %dma_start3A_227] : memref<17x32xf32, #tpu.memory_space<vmem>> -> memref<1x16xf32, #tpu.memory_space<vmem>>
    %dma_start3A_229 = tpu.memref_squeeze %dma_start3A_228 : memref<1x16xf32, #tpu.memory_space<vmem>> -> memref<16xf32, #tpu.memory_space<vmem>>
    %dma_start3A_230 = arith.constant 0 : i32
    %dma_start3A_231 = tpu.memref_slice %arg2[%dma_start3A_230] : memref<1600000xf32, #tpu.memory_space<hbm>> -> memref<1600000xf32, #tpu.memory_space<hbm>>
    tpu.enqueue_indirect_dma source(%dma_start3A_231 : memref<1600000xf32, #tpu.memory_space<hbm>>) target(%dma_start3A_229 : memref<16xf32, #tpu.memory_space<vmem>>) offsets(%add3A_225 : vector<16xi32>) semaphore(%arg7 : memref<!tpu.dma_semaphore, #tpu.memory_space<semaphore_mem>>)
    %add3A_232 = arith.constant 900000 : i32
    %add3A_233 = vector.broadcast %add3A_232 : i32 to vector<16xi32>
    %add3A_234 = arith.addi %get3A_150, %add3A_233 : vector<16xi32>
    %dma_start3A_235 = arith.constant 9 : i32
    %dma_start3A_236 = arith.constant 16 : i32
    %dma_start3A_237 = tpu.memref_slice %arg6[%dma_start3A_235, %dma_start3A_236] : memref<17x32xf32, #tpu.memory_space<vmem>> -> memref<1x16xf32, #tpu.memory_space<vmem>>
    %dma_start3A_238 = tpu.memref_squeeze %dma_start3A_237 : memref<1x16xf32, #tpu.memory_space<vmem>> -> memref<16xf32, #tpu.memory_space<vmem>>
    %dma_start3A_239 = arith.constant 0 : i32
    %dma_start3A_240 = tpu.memref_slice %arg2[%dma_start3A_239] : memref<1600000xf32, #tpu.memory_space<hbm>> -> memref<1600000xf32, #tpu.memory_space<hbm>>
    tpu.enqueue_indirect_dma source(%dma_start3A_240 : memref<1600000xf32, #tpu.memory_space<hbm>>) target(%dma_start3A_238 : memref<16xf32, #tpu.memory_space<vmem>>) offsets(%add3A_234 : vector<16xi32>) semaphore(%arg7 : memref<!tpu.dma_semaphore, #tpu.memory_space<semaphore_mem>>)
    %add3A_241 = arith.constant 1000000 : i32
    %add3A_242 = vector.broadcast %add3A_241 : i32 to vector<16xi32>
    %add3A_243 = arith.addi %get3A_150, %add3A_242 : vector<16xi32>
    %dma_start3A_244 = arith.constant 10 : i32
    %dma_start3A_245 = arith.constant 16 : i32
    %dma_start3A_246 = tpu.memref_slice %arg6[%dma_start3A_244, %dma_start3A_245] : memref<17x32xf32, #tpu.memory_space<vmem>> -> memref<1x16xf32, #tpu.memory_space<vmem>>
    %dma_start3A_247 = tpu.memref_squeeze %dma_start3A_246 : memref<1x16xf32, #tpu.memory_space<vmem>> -> memref<16xf32, #tpu.memory_space<vmem>>
    %dma_start3A_248 = arith.constant 0 : i32
    %dma_start3A_249 = tpu.memref_slice %arg2[%dma_start3A_248] : memref<1600000xf32, #tpu.memory_space<hbm>> -> memref<1600000xf32, #tpu.memory_space<hbm>>
    tpu.enqueue_indirect_dma source(%dma_start3A_249 : memref<1600000xf32, #tpu.memory_space<hbm>>) target(%dma_start3A_247 : memref<16xf32, #tpu.memory_space<vmem>>) offsets(%add3A_243 : vector<16xi32>) semaphore(%arg7 : memref<!tpu.dma_semaphore, #tpu.memory_space<semaphore_mem>>)
    %add3A_250 = arith.constant 1100000 : i32
    %add3A_251 = vector.broadcast %add3A_250 : i32 to vector<16xi32>
    %add3A_252 = arith.addi %get3A_150, %add3A_251 : vector<16xi32>
    %dma_start3A_253 = arith.constant 11 : i32
    %dma_start3A_254 = arith.constant 16 : i32
    %dma_start3A_255 = tpu.memref_slice %arg6[%dma_start3A_253, %dma_start3A_254] : memref<17x32xf32, #tpu.memory_space<vmem>> -> memref<1x16xf32, #tpu.memory_space<vmem>>
    %dma_start3A_256 = tpu.memref_squeeze %dma_start3A_255 : memref<1x16xf32, #tpu.memory_space<vmem>> -> memref<16xf32, #tpu.memory_space<vmem>>
    %dma_start3A_257 = arith.constant 0 : i32
    %dma_start3A_258 = tpu.memref_slice %arg2[%dma_start3A_257] : memref<1600000xf32, #tpu.memory_space<hbm>> -> memref<1600000xf32, #tpu.memory_space<hbm>>
    tpu.enqueue_indirect_dma source(%dma_start3A_258 : memref<1600000xf32, #tpu.memory_space<hbm>>) target(%dma_start3A_256 : memref<16xf32, #tpu.memory_space<vmem>>) offsets(%add3A_252 : vector<16xi32>) semaphore(%arg7 : memref<!tpu.dma_semaphore, #tpu.memory_space<semaphore_mem>>)
    %add3A_259 = arith.constant 1200000 : i32
    %add3A_260 = vector.broadcast %add3A_259 : i32 to vector<16xi32>
    %add3A_261 = arith.addi %get3A_150, %add3A_260 : vector<16xi32>
    %dma_start3A_262 = arith.constant 12 : i32
    %dma_start3A_263 = arith.constant 16 : i32
    %dma_start3A_264 = tpu.memref_slice %arg6[%dma_start3A_262, %dma_start3A_263] : memref<17x32xf32, #tpu.memory_space<vmem>> -> memref<1x16xf32, #tpu.memory_space<vmem>>
    %dma_start3A_265 = tpu.memref_squeeze %dma_start3A_264 : memref<1x16xf32, #tpu.memory_space<vmem>> -> memref<16xf32, #tpu.memory_space<vmem>>
    %dma_start3A_266 = arith.constant 0 : i32
    %dma_start3A_267 = tpu.memref_slice %arg2[%dma_start3A_266] : memref<1600000xf32, #tpu.memory_space<hbm>> -> memref<1600000xf32, #tpu.memory_space<hbm>>
    tpu.enqueue_indirect_dma source(%dma_start3A_267 : memref<1600000xf32, #tpu.memory_space<hbm>>) target(%dma_start3A_265 : memref<16xf32, #tpu.memory_space<vmem>>) offsets(%add3A_261 : vector<16xi32>) semaphore(%arg7 : memref<!tpu.dma_semaphore, #tpu.memory_space<semaphore_mem>>)
    %add3A_268 = arith.constant 1300000 : i32
    %add3A_269 = vector.broadcast %add3A_268 : i32 to vector<16xi32>
    %add3A_270 = arith.addi %get3A_150, %add3A_269 : vector<16xi32>
    %dma_start3A_271 = arith.constant 13 : i32
    %dma_start3A_272 = arith.constant 16 : i32
    %dma_start3A_273 = tpu.memref_slice %arg6[%dma_start3A_271, %dma_start3A_272] : memref<17x32xf32, #tpu.memory_space<vmem>> -> memref<1x16xf32, #tpu.memory_space<vmem>>
    %dma_start3A_274 = tpu.memref_squeeze %dma_start3A_273 : memref<1x16xf32, #tpu.memory_space<vmem>> -> memref<16xf32, #tpu.memory_space<vmem>>
    %dma_start3A_275 = arith.constant 0 : i32
    %dma_start3A_276 = tpu.memref_slice %arg2[%dma_start3A_275] : memref<1600000xf32, #tpu.memory_space<hbm>> -> memref<1600000xf32, #tpu.memory_space<hbm>>
    tpu.enqueue_indirect_dma source(%dma_start3A_276 : memref<1600000xf32, #tpu.memory_space<hbm>>) target(%dma_start3A_274 : memref<16xf32, #tpu.memory_space<vmem>>) offsets(%add3A_270 : vector<16xi32>) semaphore(%arg7 : memref<!tpu.dma_semaphore, #tpu.memory_space<semaphore_mem>>)
    %add3A_277 = arith.constant 1400000 : i32
    %add3A_278 = vector.broadcast %add3A_277 : i32 to vector<16xi32>
    %add3A_279 = arith.addi %get3A_150, %add3A_278 : vector<16xi32>
    %dma_start3A_280 = arith.constant 14 : i32
    %dma_start3A_281 = arith.constant 16 : i32
    %dma_start3A_282 = tpu.memref_slice %arg6[%dma_start3A_280, %dma_start3A_281] : memref<17x32xf32, #tpu.memory_space<vmem>> -> memref<1x16xf32, #tpu.memory_space<vmem>>
    %dma_start3A_283 = tpu.memref_squeeze %dma_start3A_282 : memref<1x16xf32, #tpu.memory_space<vmem>> -> memref<16xf32, #tpu.memory_space<vmem>>
    %dma_start3A_284 = arith.constant 0 : i32
    %dma_start3A_285 = tpu.memref_slice %arg2[%dma_start3A_284] : memref<1600000xf32, #tpu.memory_space<hbm>> -> memref<1600000xf32, #tpu.memory_space<hbm>>
    tpu.enqueue_indirect_dma source(%dma_start3A_285 : memref<1600000xf32, #tpu.memory_space<hbm>>) target(%dma_start3A_283 : memref<16xf32, #tpu.memory_space<vmem>>) offsets(%add3A_279 : vector<16xi32>) semaphore(%arg7 : memref<!tpu.dma_semaphore, #tpu.memory_space<semaphore_mem>>)
    %add3A_286 = arith.constant 1500000 : i32
    %add3A_287 = vector.broadcast %add3A_286 : i32 to vector<16xi32>
    %add3A_288 = arith.addi %get3A_150, %add3A_287 : vector<16xi32>
    %dma_start3A_289 = arith.constant 15 : i32
    %dma_start3A_290 = arith.constant 16 : i32
    %dma_start3A_291 = tpu.memref_slice %arg6[%dma_start3A_289, %dma_start3A_290] : memref<17x32xf32, #tpu.memory_space<vmem>> -> memref<1x16xf32, #tpu.memory_space<vmem>>
    %dma_start3A_292 = tpu.memref_squeeze %dma_start3A_291 : memref<1x16xf32, #tpu.memory_space<vmem>> -> memref<16xf32, #tpu.memory_space<vmem>>
    %dma_start3A_293 = arith.constant 0 : i32
    %dma_start3A_294 = tpu.memref_slice %arg2[%dma_start3A_293] : memref<1600000xf32, #tpu.memory_space<hbm>> -> memref<1600000xf32, #tpu.memory_space<hbm>>
    tpu.enqueue_indirect_dma source(%dma_start3A_294 : memref<1600000xf32, #tpu.memory_space<hbm>>) target(%dma_start3A_292 : memref<16xf32, #tpu.memory_space<vmem>>) offsets(%add3A_288 : vector<16xi32>) semaphore(%arg7 : memref<!tpu.dma_semaphore, #tpu.memory_space<semaphore_mem>>)
    %broadcast_in_dim3A = arith.constant 1.000000e+00 : f32
    %broadcast_in_dim3A_295 = vector.broadcast %broadcast_in_dim3A : f32 to vector<16xf32>
    %swap3A = arith.constant 16 : i32
    %swap3A_296 = arith.index_cast %swap3A : i32 to index
    %swap3A_297 = arith.constant 0 : index
    %swap3A_298 = tpu.vector_load %arg6[%swap3A_296, %swap3A_297] {strides = array<i32>} : memref<17x32xf32, #tpu.memory_space<vmem>>, vector<1x16xf32>,
    %swap3A_299 = vector.shape_cast %swap3A_298 : vector<1x16xf32> to vector<16xf32>
    %swap3A_300 = vector.shape_cast %broadcast_in_dim3A_295 : vector<16xf32> to vector<1x16xf32>
    tpu.vector_store %arg6[%swap3A_296, %swap3A_297], %swap3A_300 {strides = array<i32>} : memref<17x32xf32, #tpu.memory_space<vmem>>, vector<1x16xf32>,
    %broadcast_in_dim3A_301 = arith.constant 1.000000e+00 : f32
    %broadcast_in_dim3A_302 = vector.broadcast %broadcast_in_dim3A_301 : f32 to vector<16xf32>
    %swap3A_303 = arith.constant 16 : i32
    %swap3A_304 = arith.index_cast %swap3A_303 : i32 to index
    %swap3A_305 = arith.constant 16 : index
    %swap3A_306 = tpu.vector_load %arg6[%swap3A_304, %swap3A_305] {strides = array<i32>} : memref<17x32xf32, #tpu.memory_space<vmem>>, vector<1x16xf32>,
    %swap3A_307 = vector.shape_cast %swap3A_306 : vector<1x16xf32> to vector<16xf32>
    %swap3A_308 = vector.shape_cast %broadcast_in_dim3A_302 : vector<16xf32> to vector<1x16xf32>
    tpu.vector_store %arg6[%swap3A_304, %swap3A_305], %swap3A_308 {strides = array<i32>} : memref<17x32xf32, #tpu.memory_space<vmem>>, vector<1x16xf32>,
    %dma_wait3A = arith.constant 0 : i32
    %dma_wait3A_309 = arith.constant 0 : i32
    %dma_wait3A_310 = tpu.memref_slice %arg6[%dma_wait3A, %dma_wait3A_309] : memref<17x32xf32, #tpu.memory_space<vmem>> -> memref<1x16xf32, #tpu.memory_space<vmem>>
    %dma_wait3A_311 = tpu.memref_squeeze %dma_wait3A_310 : memref<1x16xf32, #tpu.memory_space<vmem>> -> memref<16xf32, #tpu.memory_space<vmem>>
    %dma_wait3A_312 = arith.constant 0 : i32
    %dma_wait3A_313 = tpu.memref_slice %arg2[%dma_wait3A_312] : memref<1600000xf32, #tpu.memory_space<hbm>> -> memref<1600000xf32, #tpu.memory_space<hbm>>
    tpu.wait_indirect_dma semaphore(%arg7 : memref<!tpu.dma_semaphore, #tpu.memory_space<semaphore_mem>>) src(%dma_wait3A_313 : memref<1600000xf32, #tpu.memory_space<hbm>>) dst(%dma_wait3A_311 : memref<16xf32, #tpu.memory_space<vmem>>)
    %dma_wait3A_314 = arith.constant 1 : i32
    %dma_wait3A_315 = arith.constant 0 : i32
    %dma_wait3A_316 = tpu.memref_slice %arg6[%dma_wait3A_314, %dma_wait3A_315] : memref<17x32xf32, #tpu.memory_space<vmem>> -> memref<1x16xf32, #tpu.memory_space<vmem>>
    %dma_wait3A_317 = tpu.memref_squeeze %dma_wait3A_316 : memref<1x16xf32, #tpu.memory_space<vmem>> -> memref<16xf32, #tpu.memory_space<vmem>>
    %dma_wait3A_318 = arith.constant 0 : i32
    %dma_wait3A_319 = tpu.memref_slice %arg2[%dma_wait3A_318] : memref<1600000xf32, #tpu.memory_space<hbm>> -> memref<1600000xf32, #tpu.memory_space<hbm>>
    tpu.wait_indirect_dma semaphore(%arg7 : memref<!tpu.dma_semaphore, #tpu.memory_space<semaphore_mem>>) src(%dma_wait3A_319 : memref<1600000xf32, #tpu.memory_space<hbm>>) dst(%dma_wait3A_317 : memref<16xf32, #tpu.memory_space<vmem>>)
    %dma_wait3A_320 = arith.constant 2 : i32
    %dma_wait3A_321 = arith.constant 0 : i32
    %dma_wait3A_322 = tpu.memref_slice %arg6[%dma_wait3A_320, %dma_wait3A_321] : memref<17x32xf32, #tpu.memory_space<vmem>> -> memref<1x16xf32, #tpu.memory_space<vmem>>
    %dma_wait3A_323 = tpu.memref_squeeze %dma_wait3A_322 : memref<1x16xf32, #tpu.memory_space<vmem>> -> memref<16xf32, #tpu.memory_space<vmem>>
    %dma_wait3A_324 = arith.constant 0 : i32
    %dma_wait3A_325 = tpu.memref_slice %arg2[%dma_wait3A_324] : memref<1600000xf32, #tpu.memory_space<hbm>> -> memref<1600000xf32, #tpu.memory_space<hbm>>
    tpu.wait_indirect_dma semaphore(%arg7 : memref<!tpu.dma_semaphore, #tpu.memory_space<semaphore_mem>>) src(%dma_wait3A_325 : memref<1600000xf32, #tpu.memory_space<hbm>>) dst(%dma_wait3A_323 : memref<16xf32, #tpu.memory_space<vmem>>)
    %dma_wait3A_326 = arith.constant 3 : i32
    %dma_wait3A_327 = arith.constant 0 : i32
    %dma_wait3A_328 = tpu.memref_slice %arg6[%dma_wait3A_326, %dma_wait3A_327] : memref<17x32xf32, #tpu.memory_space<vmem>> -> memref<1x16xf32, #tpu.memory_space<vmem>>
    %dma_wait3A_329 = tpu.memref_squeeze %dma_wait3A_328 : memref<1x16xf32, #tpu.memory_space<vmem>> -> memref<16xf32, #tpu.memory_space<vmem>>
    %dma_wait3A_330 = arith.constant 0 : i32
    %dma_wait3A_331 = tpu.memref_slice %arg2[%dma_wait3A_330] : memref<1600000xf32, #tpu.memory_space<hbm>> -> memref<1600000xf32, #tpu.memory_space<hbm>>
    tpu.wait_indirect_dma semaphore(%arg7 : memref<!tpu.dma_semaphore, #tpu.memory_space<semaphore_mem>>) src(%dma_wait3A_331 : memref<1600000xf32, #tpu.memory_space<hbm>>) dst(%dma_wait3A_329 : memref<16xf32, #tpu.memory_space<vmem>>)
    %dma_wait3A_332 = arith.constant 4 : i32
    %dma_wait3A_333 = arith.constant 0 : i32
    %dma_wait3A_334 = tpu.memref_slice %arg6[%dma_wait3A_332, %dma_wait3A_333] : memref<17x32xf32, #tpu.memory_space<vmem>> -> memref<1x16xf32, #tpu.memory_space<vmem>>
    %dma_wait3A_335 = tpu.memref_squeeze %dma_wait3A_334 : memref<1x16xf32, #tpu.memory_space<vmem>> -> memref<16xf32, #tpu.memory_space<vmem>>
    %dma_wait3A_336 = arith.constant 0 : i32
    %dma_wait3A_337 = tpu.memref_slice %arg2[%dma_wait3A_336] : memref<1600000xf32, #tpu.memory_space<hbm>> -> memref<1600000xf32, #tpu.memory_space<hbm>>
    tpu.wait_indirect_dma semaphore(%arg7 : memref<!tpu.dma_semaphore, #tpu.memory_space<semaphore_mem>>) src(%dma_wait3A_337 : memref<1600000xf32, #tpu.memory_space<hbm>>) dst(%dma_wait3A_335 : memref<16xf32, #tpu.memory_space<vmem>>)
    %dma_wait3A_338 = arith.constant 5 : i32
    %dma_wait3A_339 = arith.constant 0 : i32
    %dma_wait3A_340 = tpu.memref_slice %arg6[%dma_wait3A_338, %dma_wait3A_339] : memref<17x32xf32, #tpu.memory_space<vmem>> -> memref<1x16xf32, #tpu.memory_space<vmem>>
    %dma_wait3A_341 = tpu.memref_squeeze %dma_wait3A_340 : memref<1x16xf32, #tpu.memory_space<vmem>> -> memref<16xf32, #tpu.memory_space<vmem>>
    %dma_wait3A_342 = arith.constant 0 : i32
    %dma_wait3A_343 = tpu.memref_slice %arg2[%dma_wait3A_342] : memref<1600000xf32, #tpu.memory_space<hbm>> -> memref<1600000xf32, #tpu.memory_space<hbm>>
    tpu.wait_indirect_dma semaphore(%arg7 : memref<!tpu.dma_semaphore, #tpu.memory_space<semaphore_mem>>) src(%dma_wait3A_343 : memref<1600000xf32, #tpu.memory_space<hbm>>) dst(%dma_wait3A_341 : memref<16xf32, #tpu.memory_space<vmem>>)
    %dma_wait3A_344 = arith.constant 6 : i32
    %dma_wait3A_345 = arith.constant 0 : i32
    %dma_wait3A_346 = tpu.memref_slice %arg6[%dma_wait3A_344, %dma_wait3A_345] : memref<17x32xf32, #tpu.memory_space<vmem>> -> memref<1x16xf32, #tpu.memory_space<vmem>>
    %dma_wait3A_347 = tpu.memref_squeeze %dma_wait3A_346 : memref<1x16xf32, #tpu.memory_space<vmem>> -> memref<16xf32, #tpu.memory_space<vmem>>
    %dma_wait3A_348 = arith.constant 0 : i32
    %dma_wait3A_349 = tpu.memref_slice %arg2[%dma_wait3A_348] : memref<1600000xf32, #tpu.memory_space<hbm>> -> memref<1600000xf32, #tpu.memory_space<hbm>>
    tpu.wait_indirect_dma semaphore(%arg7 : memref<!tpu.dma_semaphore, #tpu.memory_space<semaphore_mem>>) src(%dma_wait3A_349 : memref<1600000xf32, #tpu.memory_space<hbm>>) dst(%dma_wait3A_347 : memref<16xf32, #tpu.memory_space<vmem>>)
    %dma_wait3A_350 = arith.constant 7 : i32
    %dma_wait3A_351 = arith.constant 0 : i32
    %dma_wait3A_352 = tpu.memref_slice %arg6[%dma_wait3A_350, %dma_wait3A_351] : memref<17x32xf32, #tpu.memory_space<vmem>> -> memref<1x16xf32, #tpu.memory_space<vmem>>
    %dma_wait3A_353 = tpu.memref_squeeze %dma_wait3A_352 : memref<1x16xf32, #tpu.memory_space<vmem>> -> memref<16xf32, #tpu.memory_space<vmem>>
    %dma_wait3A_354 = arith.constant 0 : i32
    %dma_wait3A_355 = tpu.memref_slice %arg2[%dma_wait3A_354] : memref<1600000xf32, #tpu.memory_space<hbm>> -> memref<1600000xf32, #tpu.memory_space<hbm>>
    tpu.wait_indirect_dma semaphore(%arg7 : memref<!tpu.dma_semaphore, #tpu.memory_space<semaphore_mem>>) src(%dma_wait3A_355 : memref<1600000xf32, #tpu.memory_space<hbm>>) dst(%dma_wait3A_353 : memref<16xf32, #tpu.memory_space<vmem>>)
    %dma_wait3A_356 = arith.constant 8 : i32
    %dma_wait3A_357 = arith.constant 0 : i32
    %dma_wait3A_358 = tpu.memref_slice %arg6[%dma_wait3A_356, %dma_wait3A_357] : memref<17x32xf32, #tpu.memory_space<vmem>> -> memref<1x16xf32, #tpu.memory_space<vmem>>
    %dma_wait3A_359 = tpu.memref_squeeze %dma_wait3A_358 : memref<1x16xf32, #tpu.memory_space<vmem>> -> memref<16xf32, #tpu.memory_space<vmem>>
    %dma_wait3A_360 = arith.constant 0 : i32
    %dma_wait3A_361 = tpu.memref_slice %arg2[%dma_wait3A_360] : memref<1600000xf32, #tpu.memory_space<hbm>> -> memref<1600000xf32, #tpu.memory_space<hbm>>
    tpu.wait_indirect_dma semaphore(%arg7 : memref<!tpu.dma_semaphore, #tpu.memory_space<semaphore_mem>>) src(%dma_wait3A_361 : memref<1600000xf32, #tpu.memory_space<hbm>>) dst(%dma_wait3A_359 : memref<16xf32, #tpu.memory_space<vmem>>)
    %dma_wait3A_362 = arith.constant 9 : i32
    %dma_wait3A_363 = arith.constant 0 : i32
    %dma_wait3A_364 = tpu.memref_slice %arg6[%dma_wait3A_362, %dma_wait3A_363] : memref<17x32xf32, #tpu.memory_space<vmem>> -> memref<1x16xf32, #tpu.memory_space<vmem>>
    %dma_wait3A_365 = tpu.memref_squeeze %dma_wait3A_364 : memref<1x16xf32, #tpu.memory_space<vmem>> -> memref<16xf32, #tpu.memory_space<vmem>>
    %dma_wait3A_366 = arith.constant 0 : i32
    %dma_wait3A_367 = tpu.memref_slice %arg2[%dma_wait3A_366] : memref<1600000xf32, #tpu.memory_space<hbm>> -> memref<1600000xf32, #tpu.memory_space<hbm>>
    tpu.wait_indirect_dma semaphore(%arg7 : memref<!tpu.dma_semaphore, #tpu.memory_space<semaphore_mem>>) src(%dma_wait3A_367 : memref<1600000xf32, #tpu.memory_space<hbm>>) dst(%dma_wait3A_365 : memref<16xf32, #tpu.memory_space<vmem>>)
    %dma_wait3A_368 = arith.constant 10 : i32
    %dma_wait3A_369 = arith.constant 0 : i32
    %dma_wait3A_370 = tpu.memref_slice %arg6[%dma_wait3A_368, %dma_wait3A_369] : memref<17x32xf32, #tpu.memory_space<vmem>> -> memref<1x16xf32, #tpu.memory_space<vmem>>
    %dma_wait3A_371 = tpu.memref_squeeze %dma_wait3A_370 : memref<1x16xf32, #tpu.memory_space<vmem>> -> memref<16xf32, #tpu.memory_space<vmem>>
    %dma_wait3A_372 = arith.constant 0 : i32
    %dma_wait3A_373 = tpu.memref_slice %arg2[%dma_wait3A_372] : memref<1600000xf32, #tpu.memory_space<hbm>> -> memref<1600000xf32, #tpu.memory_space<hbm>>
    tpu.wait_indirect_dma semaphore(%arg7 : memref<!tpu.dma_semaphore, #tpu.memory_space<semaphore_mem>>) src(%dma_wait3A_373 : memref<1600000xf32, #tpu.memory_space<hbm>>) dst(%dma_wait3A_371 : memref<16xf32, #tpu.memory_space<vmem>>)
    %dma_wait3A_374 = arith.constant 11 : i32
    %dma_wait3A_375 = arith.constant 0 : i32
    %dma_wait3A_376 = tpu.memref_slice %arg6[%dma_wait3A_374, %dma_wait3A_375] : memref<17x32xf32, #tpu.memory_space<vmem>> -> memref<1x16xf32, #tpu.memory_space<vmem>>
    %dma_wait3A_377 = tpu.memref_squeeze %dma_wait3A_376 : memref<1x16xf32, #tpu.memory_space<vmem>> -> memref<16xf32, #tpu.memory_space<vmem>>
    %dma_wait3A_378 = arith.constant 0 : i32
    %dma_wait3A_379 = tpu.memref_slice %arg2[%dma_wait3A_378] : memref<1600000xf32, #tpu.memory_space<hbm>> -> memref<1600000xf32, #tpu.memory_space<hbm>>
    tpu.wait_indirect_dma semaphore(%arg7 : memref<!tpu.dma_semaphore, #tpu.memory_space<semaphore_mem>>) src(%dma_wait3A_379 : memref<1600000xf32, #tpu.memory_space<hbm>>) dst(%dma_wait3A_377 : memref<16xf32, #tpu.memory_space<vmem>>)
    %dma_wait3A_380 = arith.constant 12 : i32
    %dma_wait3A_381 = arith.constant 0 : i32
    %dma_wait3A_382 = tpu.memref_slice %arg6[%dma_wait3A_380, %dma_wait3A_381] : memref<17x32xf32, #tpu.memory_space<vmem>> -> memref<1x16xf32, #tpu.memory_space<vmem>>
    %dma_wait3A_383 = tpu.memref_squeeze %dma_wait3A_382 : memref<1x16xf32, #tpu.memory_space<vmem>> -> memref<16xf32, #tpu.memory_space<vmem>>
    %dma_wait3A_384 = arith.constant 0 : i32
    %dma_wait3A_385 = tpu.memref_slice %arg2[%dma_wait3A_384] : memref<1600000xf32, #tpu.memory_space<hbm>> -> memref<1600000xf32, #tpu.memory_space<hbm>>
    tpu.wait_indirect_dma semaphore(%arg7 : memref<!tpu.dma_semaphore, #tpu.memory_space<semaphore_mem>>) src(%dma_wait3A_385 : memref<1600000xf32, #tpu.memory_space<hbm>>) dst(%dma_wait3A_383 : memref<16xf32, #tpu.memory_space<vmem>>)
    %dma_wait3A_386 = arith.constant 13 : i32
    %dma_wait3A_387 = arith.constant 0 : i32
    %dma_wait3A_388 = tpu.memref_slice %arg6[%dma_wait3A_386, %dma_wait3A_387] : memref<17x32xf32, #tpu.memory_space<vmem>> -> memref<1x16xf32, #tpu.memory_space<vmem>>
    %dma_wait3A_389 = tpu.memref_squeeze %dma_wait3A_388 : memref<1x16xf32, #tpu.memory_space<vmem>> -> memref<16xf32, #tpu.memory_space<vmem>>
    %dma_wait3A_390 = arith.constant 0 : i32
    %dma_wait3A_391 = tpu.memref_slice %arg2[%dma_wait3A_390] : memref<1600000xf32, #tpu.memory_space<hbm>> -> memref<1600000xf32, #tpu.memory_space<hbm>>
    tpu.wait_indirect_dma semaphore(%arg7 : memref<!tpu.dma_semaphore, #tpu.memory_space<semaphore_mem>>) src(%dma_wait3A_391 : memref<1600000xf32, #tpu.memory_space<hbm>>) dst(%dma_wait3A_389 : memref<16xf32, #tpu.memory_space<vmem>>)
    %dma_wait3A_392 = arith.constant 14 : i32
    %dma_wait3A_393 = arith.constant 0 : i32
    %dma_wait3A_394 = tpu.memref_slice %arg6[%dma_wait3A_392, %dma_wait3A_393] : memref<17x32xf32, #tpu.memory_space<vmem>> -> memref<1x16xf32, #tpu.memory_space<vmem>>
    %dma_wait3A_395 = tpu.memref_squeeze %dma_wait3A_394 : memref<1x16xf32, #tpu.memory_space<vmem>> -> memref<16xf32, #tpu.memory_space<vmem>>
    %dma_wait3A_396 = arith.constant 0 : i32
    %dma_wait3A_397 = tpu.memref_slice %arg2[%dma_wait3A_396] : memref<1600000xf32, #tpu.memory_space<hbm>> -> memref<1600000xf32, #tpu.memory_space<hbm>>
    tpu.wait_indirect_dma semaphore(%arg7 : memref<!tpu.dma_semaphore, #tpu.memory_space<semaphore_mem>>) src(%dma_wait3A_397 : memref<1600000xf32, #tpu.memory_space<hbm>>) dst(%dma_wait3A_395 : memref<16xf32, #tpu.memory_space<vmem>>)
    %dma_wait3A_398 = arith.constant 15 : i32
    %dma_wait3A_399 = arith.constant 0 : i32
    %dma_wait3A_400 = tpu.memref_slice %arg6[%dma_wait3A_398, %dma_wait3A_399] : memref<17x32xf32, #tpu.memory_space<vmem>> -> memref<1x16xf32, #tpu.memory_space<vmem>>
    %dma_wait3A_401 = tpu.memref_squeeze %dma_wait3A_400 : memref<1x16xf32, #tpu.memory_space<vmem>> -> memref<16xf32, #tpu.memory_space<vmem>>
    %dma_wait3A_402 = arith.constant 0 : i32
    %dma_wait3A_403 = tpu.memref_slice %arg2[%dma_wait3A_402] : memref<1600000xf32, #tpu.memory_space<hbm>> -> memref<1600000xf32, #tpu.memory_space<hbm>>
    tpu.wait_indirect_dma semaphore(%arg7 : memref<!tpu.dma_semaphore, #tpu.memory_space<semaphore_mem>>) src(%dma_wait3A_403 : memref<1600000xf32, #tpu.memory_space<hbm>>) dst(%dma_wait3A_401 : memref<16xf32, #tpu.memory_space<vmem>>)
    %dma_wait3A_404 = arith.constant 0 : i32
    %dma_wait3A_405 = arith.constant 16 : i32
    %dma_wait3A_406 = tpu.memref_slice %arg6[%dma_wait3A_404, %dma_wait3A_405] : memref<17x32xf32, #tpu.memory_space<vmem>> -> memref<1x16xf32, #tpu.memory_space<vmem>>
    %dma_wait3A_407 = tpu.memref_squeeze %dma_wait3A_406 : memref<1x16xf32, #tpu.memory_space<vmem>> -> memref<16xf32, #tpu.memory_space<vmem>>
    %dma_wait3A_408 = arith.constant 0 : i32
    %dma_wait3A_409 = tpu.memref_slice %arg2[%dma_wait3A_408] : memref<1600000xf32, #tpu.memory_space<hbm>> -> memref<1600000xf32, #tpu.memory_space<hbm>>
    tpu.wait_indirect_dma semaphore(%arg7 : memref<!tpu.dma_semaphore, #tpu.memory_space<semaphore_mem>>) src(%dma_wait3A_409 : memref<1600000xf32, #tpu.memory_space<hbm>>) dst(%dma_wait3A_407 : memref<16xf32, #tpu.memory_space<vmem>>)
    %dma_wait3A_410 = arith.constant 1 : i32
    %dma_wait3A_411 = arith.constant 16 : i32
    %dma_wait3A_412 = tpu.memref_slice %arg6[%dma_wait3A_410, %dma_wait3A_411] : memref<17x32xf32, #tpu.memory_space<vmem>> -> memref<1x16xf32, #tpu.memory_space<vmem>>
    %dma_wait3A_413 = tpu.memref_squeeze %dma_wait3A_412 : memref<1x16xf32, #tpu.memory_space<vmem>> -> memref<16xf32, #tpu.memory_space<vmem>>
    %dma_wait3A_414 = arith.constant 0 : i32
    %dma_wait3A_415 = tpu.memref_slice %arg2[%dma_wait3A_414] : memref<1600000xf32, #tpu.memory_space<hbm>> -> memref<1600000xf32, #tpu.memory_space<hbm>>
    tpu.wait_indirect_dma semaphore(%arg7 : memref<!tpu.dma_semaphore, #tpu.memory_space<semaphore_mem>>) src(%dma_wait3A_415 : memref<1600000xf32, #tpu.memory_space<hbm>>) dst(%dma_wait3A_413 : memref<16xf32, #tpu.memory_space<vmem>>)
    %dma_wait3A_416 = arith.constant 2 : i32
    %dma_wait3A_417 = arith.constant 16 : i32
    %dma_wait3A_418 = tpu.memref_slice %arg6[%dma_wait3A_416, %dma_wait3A_417] : memref<17x32xf32, #tpu.memory_space<vmem>> -> memref<1x16xf32, #tpu.memory_space<vmem>>
    %dma_wait3A_419 = tpu.memref_squeeze %dma_wait3A_418 : memref<1x16xf32, #tpu.memory_space<vmem>> -> memref<16xf32, #tpu.memory_space<vmem>>
    %dma_wait3A_420 = arith.constant 0 : i32
    %dma_wait3A_421 = tpu.memref_slice %arg2[%dma_wait3A_420] : memref<1600000xf32, #tpu.memory_space<hbm>> -> memref<1600000xf32, #tpu.memory_space<hbm>>
    tpu.wait_indirect_dma semaphore(%arg7 : memref<!tpu.dma_semaphore, #tpu.memory_space<semaphore_mem>>) src(%dma_wait3A_421 : memref<1600000xf32, #tpu.memory_space<hbm>>) dst(%dma_wait3A_419 : memref<16xf32, #tpu.memory_space<vmem>>)
    %dma_wait3A_422 = arith.constant 3 : i32
    %dma_wait3A_423 = arith.constant 16 : i32
    %dma_wait3A_424 = tpu.memref_slice %arg6[%dma_wait3A_422, %dma_wait3A_423] : memref<17x32xf32, #tpu.memory_space<vmem>> -> memref<1x16xf32, #tpu.memory_space<vmem>>
    %dma_wait3A_425 = tpu.memref_squeeze %dma_wait3A_424 : memref<1x16xf32, #tpu.memory_space<vmem>> -> memref<16xf32, #tpu.memory_space<vmem>>
    %dma_wait3A_426 = arith.constant 0 : i32
    %dma_wait3A_427 = tpu.memref_slice %arg2[%dma_wait3A_426] : memref<1600000xf32, #tpu.memory_space<hbm>> -> memref<1600000xf32, #tpu.memory_space<hbm>>
    tpu.wait_indirect_dma semaphore(%arg7 : memref<!tpu.dma_semaphore, #tpu.memory_space<semaphore_mem>>) src(%dma_wait3A_427 : memref<1600000xf32, #tpu.memory_space<hbm>>) dst(%dma_wait3A_425 : memref<16xf32, #tpu.memory_space<vmem>>)
    %dma_wait3A_428 = arith.constant 4 : i32
    %dma_wait3A_429 = arith.constant 16 : i32
    %dma_wait3A_430 = tpu.memref_slice %arg6[%dma_wait3A_428, %dma_wait3A_429] : memref<17x32xf32, #tpu.memory_space<vmem>> -> memref<1x16xf32, #tpu.memory_space<vmem>>
    %dma_wait3A_431 = tpu.memref_squeeze %dma_wait3A_430 : memref<1x16xf32, #tpu.memory_space<vmem>> -> memref<16xf32, #tpu.memory_space<vmem>>
    %dma_wait3A_432 = arith.constant 0 : i32
    %dma_wait3A_433 = tpu.memref_slice %arg2[%dma_wait3A_432] : memref<1600000xf32, #tpu.memory_space<hbm>> -> memref<1600000xf32, #tpu.memory_space<hbm>>
    tpu.wait_indirect_dma semaphore(%arg7 : memref<!tpu.dma_semaphore, #tpu.memory_space<semaphore_mem>>) src(%dma_wait3A_433 : memref<1600000xf32, #tpu.memory_space<hbm>>) dst(%dma_wait3A_431 : memref<16xf32, #tpu.memory_space<vmem>>)
    %dma_wait3A_434 = arith.constant 5 : i32
    %dma_wait3A_435 = arith.constant 16 : i32
    %dma_wait3A_436 = tpu.memref_slice %arg6[%dma_wait3A_434, %dma_wait3A_435] : memref<17x32xf32, #tpu.memory_space<vmem>> -> memref<1x16xf32, #tpu.memory_space<vmem>>
    %dma_wait3A_437 = tpu.memref_squeeze %dma_wait3A_436 : memref<1x16xf32, #tpu.memory_space<vmem>> -> memref<16xf32, #tpu.memory_space<vmem>>
    %dma_wait3A_438 = arith.constant 0 : i32
    %dma_wait3A_439 = tpu.memref_slice %arg2[%dma_wait3A_438] : memref<1600000xf32, #tpu.memory_space<hbm>> -> memref<1600000xf32, #tpu.memory_space<hbm>>
    tpu.wait_indirect_dma semaphore(%arg7 : memref<!tpu.dma_semaphore, #tpu.memory_space<semaphore_mem>>) src(%dma_wait3A_439 : memref<1600000xf32, #tpu.memory_space<hbm>>) dst(%dma_wait3A_437 : memref<16xf32, #tpu.memory_space<vmem>>)
    %dma_wait3A_440 = arith.constant 6 : i32
    %dma_wait3A_441 = arith.constant 16 : i32
    %dma_wait3A_442 = tpu.memref_slice %arg6[%dma_wait3A_440, %dma_wait3A_441] : memref<17x32xf32, #tpu.memory_space<vmem>> -> memref<1x16xf32, #tpu.memory_space<vmem>>
    %dma_wait3A_443 = tpu.memref_squeeze %dma_wait3A_442 : memref<1x16xf32, #tpu.memory_space<vmem>> -> memref<16xf32, #tpu.memory_space<vmem>>
    %dma_wait3A_444 = arith.constant 0 : i32
    %dma_wait3A_445 = tpu.memref_slice %arg2[%dma_wait3A_444] : memref<1600000xf32, #tpu.memory_space<hbm>> -> memref<1600000xf32, #tpu.memory_space<hbm>>
    tpu.wait_indirect_dma semaphore(%arg7 : memref<!tpu.dma_semaphore, #tpu.memory_space<semaphore_mem>>) src(%dma_wait3A_445 : memref<1600000xf32, #tpu.memory_space<hbm>>) dst(%dma_wait3A_443 : memref<16xf32, #tpu.memory_space<vmem>>)
    %dma_wait3A_446 = arith.constant 7 : i32
    %dma_wait3A_447 = arith.constant 16 : i32
    %dma_wait3A_448 = tpu.memref_slice %arg6[%dma_wait3A_446, %dma_wait3A_447] : memref<17x32xf32, #tpu.memory_space<vmem>> -> memref<1x16xf32, #tpu.memory_space<vmem>>
    %dma_wait3A_449 = tpu.memref_squeeze %dma_wait3A_448 : memref<1x16xf32, #tpu.memory_space<vmem>> -> memref<16xf32, #tpu.memory_space<vmem>>
    %dma_wait3A_450 = arith.constant 0 : i32
    %dma_wait3A_451 = tpu.memref_slice %arg2[%dma_wait3A_450] : memref<1600000xf32, #tpu.memory_space<hbm>> -> memref<1600000xf32, #tpu.memory_space<hbm>>
    tpu.wait_indirect_dma semaphore(%arg7 : memref<!tpu.dma_semaphore, #tpu.memory_space<semaphore_mem>>) src(%dma_wait3A_451 : memref<1600000xf32, #tpu.memory_space<hbm>>) dst(%dma_wait3A_449 : memref<16xf32, #tpu.memory_space<vmem>>)
    %dma_wait3A_452 = arith.constant 8 : i32
    %dma_wait3A_453 = arith.constant 16 : i32
    %dma_wait3A_454 = tpu.memref_slice %arg6[%dma_wait3A_452, %dma_wait3A_453] : memref<17x32xf32, #tpu.memory_space<vmem>> -> memref<1x16xf32, #tpu.memory_space<vmem>>
    %dma_wait3A_455 = tpu.memref_squeeze %dma_wait3A_454 : memref<1x16xf32, #tpu.memory_space<vmem>> -> memref<16xf32, #tpu.memory_space<vmem>>
    %dma_wait3A_456 = arith.constant 0 : i32
    %dma_wait3A_457 = tpu.memref_slice %arg2[%dma_wait3A_456] : memref<1600000xf32, #tpu.memory_space<hbm>> -> memref<1600000xf32, #tpu.memory_space<hbm>>
    tpu.wait_indirect_dma semaphore(%arg7 : memref<!tpu.dma_semaphore, #tpu.memory_space<semaphore_mem>>) src(%dma_wait3A_457 : memref<1600000xf32, #tpu.memory_space<hbm>>) dst(%dma_wait3A_455 : memref<16xf32, #tpu.memory_space<vmem>>)
    %dma_wait3A_458 = arith.constant 9 : i32
    %dma_wait3A_459 = arith.constant 16 : i32
    %dma_wait3A_460 = tpu.memref_slice %arg6[%dma_wait3A_458, %dma_wait3A_459] : memref<17x32xf32, #tpu.memory_space<vmem>> -> memref<1x16xf32, #tpu.memory_space<vmem>>
    %dma_wait3A_461 = tpu.memref_squeeze %dma_wait3A_460 : memref<1x16xf32, #tpu.memory_space<vmem>> -> memref<16xf32, #tpu.memory_space<vmem>>
    %dma_wait3A_462 = arith.constant 0 : i32
    %dma_wait3A_463 = tpu.memref_slice %arg2[%dma_wait3A_462] : memref<1600000xf32, #tpu.memory_space<hbm>> -> memref<1600000xf32, #tpu.memory_space<hbm>>
    tpu.wait_indirect_dma semaphore(%arg7 : memref<!tpu.dma_semaphore, #tpu.memory_space<semaphore_mem>>) src(%dma_wait3A_463 : memref<1600000xf32, #tpu.memory_space<hbm>>) dst(%dma_wait3A_461 : memref<16xf32, #tpu.memory_space<vmem>>)
    %dma_wait3A_464 = arith.constant 10 : i32
    %dma_wait3A_465 = arith.constant 16 : i32
    %dma_wait3A_466 = tpu.memref_slice %arg6[%dma_wait3A_464, %dma_wait3A_465] : memref<17x32xf32, #tpu.memory_space<vmem>> -> memref<1x16xf32, #tpu.memory_space<vmem>>
    %dma_wait3A_467 = tpu.memref_squeeze %dma_wait3A_466 : memref<1x16xf32, #tpu.memory_space<vmem>> -> memref<16xf32, #tpu.memory_space<vmem>>
    %dma_wait3A_468 = arith.constant 0 : i32
    %dma_wait3A_469 = tpu.memref_slice %arg2[%dma_wait3A_468] : memref<1600000xf32, #tpu.memory_space<hbm>> -> memref<1600000xf32, #tpu.memory_space<hbm>>
    tpu.wait_indirect_dma semaphore(%arg7 : memref<!tpu.dma_semaphore, #tpu.memory_space<semaphore_mem>>) src(%dma_wait3A_469 : memref<1600000xf32, #tpu.memory_space<hbm>>) dst(%dma_wait3A_467 : memref<16xf32, #tpu.memory_space<vmem>>)
    %dma_wait3A_470 = arith.constant 11 : i32
    %dma_wait3A_471 = arith.constant 16 : i32
    %dma_wait3A_472 = tpu.memref_slice %arg6[%dma_wait3A_470, %dma_wait3A_471] : memref<17x32xf32, #tpu.memory_space<vmem>> -> memref<1x16xf32, #tpu.memory_space<vmem>>
    %dma_wait3A_473 = tpu.memref_squeeze %dma_wait3A_472 : memref<1x16xf32, #tpu.memory_space<vmem>> -> memref<16xf32, #tpu.memory_space<vmem>>
    %dma_wait3A_474 = arith.constant 0 : i32
    %dma_wait3A_475 = tpu.memref_slice %arg2[%dma_wait3A_474] : memref<1600000xf32, #tpu.memory_space<hbm>> -> memref<1600000xf32, #tpu.memory_space<hbm>>
    tpu.wait_indirect_dma semaphore(%arg7 : memref<!tpu.dma_semaphore, #tpu.memory_space<semaphore_mem>>) src(%dma_wait3A_475 : memref<1600000xf32, #tpu.memory_space<hbm>>) dst(%dma_wait3A_473 : memref<16xf32, #tpu.memory_space<vmem>>)
    %dma_wait3A_476 = arith.constant 12 : i32
    %dma_wait3A_477 = arith.constant 16 : i32
    %dma_wait3A_478 = tpu.memref_slice %arg6[%dma_wait3A_476, %dma_wait3A_477] : memref<17x32xf32, #tpu.memory_space<vmem>> -> memref<1x16xf32, #tpu.memory_space<vmem>>
    %dma_wait3A_479 = tpu.memref_squeeze %dma_wait3A_478 : memref<1x16xf32, #tpu.memory_space<vmem>> -> memref<16xf32, #tpu.memory_space<vmem>>
    %dma_wait3A_480 = arith.constant 0 : i32
    %dma_wait3A_481 = tpu.memref_slice %arg2[%dma_wait3A_480] : memref<1600000xf32, #tpu.memory_space<hbm>> -> memref<1600000xf32, #tpu.memory_space<hbm>>
    tpu.wait_indirect_dma semaphore(%arg7 : memref<!tpu.dma_semaphore, #tpu.memory_space<semaphore_mem>>) src(%dma_wait3A_481 : memref<1600000xf32, #tpu.memory_space<hbm>>) dst(%dma_wait3A_479 : memref<16xf32, #tpu.memory_space<vmem>>)
    %dma_wait3A_482 = arith.constant 13 : i32
    %dma_wait3A_483 = arith.constant 16 : i32
    %dma_wait3A_484 = tpu.memref_slice %arg6[%dma_wait3A_482, %dma_wait3A_483] : memref<17x32xf32, #tpu.memory_space<vmem>> -> memref<1x16xf32, #tpu.memory_space<vmem>>
    %dma_wait3A_485 = tpu.memref_squeeze %dma_wait3A_484 : memref<1x16xf32, #tpu.memory_space<vmem>> -> memref<16xf32, #tpu.memory_space<vmem>>
    %dma_wait3A_486 = arith.constant 0 : i32
    %dma_wait3A_487 = tpu.memref_slice %arg2[%dma_wait3A_486] : memref<1600000xf32, #tpu.memory_space<hbm>> -> memref<1600000xf32, #tpu.memory_space<hbm>>
    tpu.wait_indirect_dma semaphore(%arg7 : memref<!tpu.dma_semaphore, #tpu.memory_space<semaphore_mem>>) src(%dma_wait3A_487 : memref<1600000xf32, #tpu.memory_space<hbm>>) dst(%dma_wait3A_485 : memref<16xf32, #tpu.memory_space<vmem>>)
    %dma_wait3A_488 = arith.constant 14 : i32
    %dma_wait3A_489 = arith.constant 16 : i32
    %dma_wait3A_490 = tpu.memref_slice %arg6[%dma_wait3A_488, %dma_wait3A_489] : memref<17x32xf32, #tpu.memory_space<vmem>> -> memref<1x16xf32, #tpu.memory_space<vmem>>
    %dma_wait3A_491 = tpu.memref_squeeze %dma_wait3A_490 : memref<1x16xf32, #tpu.memory_space<vmem>> -> memref<16xf32, #tpu.memory_space<vmem>>
    %dma_wait3A_492 = arith.constant 0 : i32
    %dma_wait3A_493 = tpu.memref_slice %arg2[%dma_wait3A_492] : memref<1600000xf32, #tpu.memory_space<hbm>> -> memref<1600000xf32, #tpu.memory_space<hbm>>
    tpu.wait_indirect_dma semaphore(%arg7 : memref<!tpu.dma_semaphore, #tpu.memory_space<semaphore_mem>>) src(%dma_wait3A_493 : memref<1600000xf32, #tpu.memory_space<hbm>>) dst(%dma_wait3A_491 : memref<16xf32, #tpu.memory_space<vmem>>)
    %dma_wait3A_494 = arith.constant 15 : i32
    %dma_wait3A_495 = arith.constant 16 : i32
    %dma_wait3A_496 = tpu.memref_slice %arg6[%dma_wait3A_494, %dma_wait3A_495] : memref<17x32xf32, #tpu.memory_space<vmem>> -> memref<1x16xf32, #tpu.memory_space<vmem>>
    %dma_wait3A_497 = tpu.memref_squeeze %dma_wait3A_496 : memref<1x16xf32, #tpu.memory_space<vmem>> -> memref<16xf32, #tpu.memory_space<vmem>>
    %dma_wait3A_498 = arith.constant 0 : i32
    %dma_wait3A_499 = tpu.memref_slice %arg2[%dma_wait3A_498] : memref<1600000xf32, #tpu.memory_space<hbm>> -> memref<1600000xf32, #tpu.memory_space<hbm>>
    tpu.wait_indirect_dma semaphore(%arg7 : memref<!tpu.dma_semaphore, #tpu.memory_space<semaphore_mem>>) src(%dma_wait3A_499 : memref<1600000xf32, #tpu.memory_space<hbm>>) dst(%dma_wait3A_497 : memref<16xf32, #tpu.memory_space<vmem>>)
    "tpu.region"() ({
      %run_scoped3A = tpu.sem_alloc : memref<!tpu.dma_semaphore, #tpu.memory_space<semaphore_mem>>
      %dma_start3A_500 = arith.constant 0 : i32
      %dma_start3A_501 = tpu.memref_slice %arg4[%dma_start3A_500, %mul3A_2] : memref<17x1024xf32, #tpu.memory_space<hbm>> -> memref<17x32xf32, #tpu.memory_space<hbm>>
      %dma_start3A_502 = arith.constant 0 : i32
      %dma_start3A_503 = tpu.memref_slice %arg4[%dma_start3A_502, %mul3A_2] : memref<17x1024xf32, #tpu.memory_space<hbm>> -> memref<17x32xf32, #tpu.memory_space<hbm>>
      tpu.enqueue_dma source(%arg6 : memref<17x32xf32, #tpu.memory_space<vmem>>) target(%dma_start3A_503 : memref<17x32xf32, #tpu.memory_space<hbm>>) target_semaphore(%run_scoped3A : memref<!tpu.dma_semaphore, #tpu.memory_space<semaphore_mem>>)
      %dma_wait3A_504 = arith.constant 0 : i32
      %dma_wait3A_505 = tpu.memref_slice %arg4[%dma_wait3A_504, %mul3A_2] : memref<17x1024xf32, #tpu.memory_space<hbm>> -> memref<17x32xf32, #tpu.memory_space<hbm>>
      %dma_wait3A_506 = arith.constant 0 : i32
      %dma_wait3A_507 = tpu.memref_slice %arg4[%dma_wait3A_506, %mul3A_2] : memref<17x1024xf32, #tpu.memory_space<hbm>> -> memref<17x32xf32, #tpu.memory_space<hbm>>
      tpu.wait_dma2 semaphore(%run_scoped3A : memref<!tpu.dma_semaphore, #tpu.memory_space<semaphore_mem>>) src(%arg6 : memref<17x32xf32, #tpu.memory_space<vmem>>) dst(%dma_wait3A_507 : memref<17x32xf32, #tpu.memory_space<hbm>>)
      tpu.yield
    }) : () -> ()
    return
  }
}

module attributes {stable_mosaic.version = 14 : i64} {
  func.func @_matmul_t_body(%arg0: i32, %arg1: memref<16x1024xf32, #tpu.memory_space<vmem>>, %arg2: memref<1x1024xf32, #tpu.memory_space<vmem>>, %arg3: memref<17x1024xf32, #tpu.memory_space<vmem>>, %arg4: memref<1024x1024xf32, #tpu.memory_space<vmem>>) attributes {dimension_semantics = [#tpu.dimension_semantics<arbitrary>], iteration_bounds = array<i64: 98>, scalar_prefetch = 0 : i64, scratch_operands = 0 : i64, tpu.core_type = #tpu.core_type<tc>, window_params = [{transform_indices = @transform_0, window_bounds = array<i64: 16, 1024>}, {transform_indices = @transform_1, window_bounds = array<i64: 1, 1024>}, {pipeline_mode = #tpu.pipeline_mode<synchronous>, transform_indices = @transform_2, window_bounds = array<i64: 17, 1024>}, {transform_indices = @transform_3, window_bounds = array<i64: 1024, 1024>}]} {
    %get3A = arith.constant 0 : index
    %get3A_0 = arith.constant 0 : index
    %get3A_1 = vector.load %arg1[%get3A, %get3A_0] : memref<16x1024xf32, #tpu.memory_space<vmem>>, vector<16x1024xf32>
    %get3A_2 = arith.constant 0 : index
    %get3A_3 = arith.constant 0 : index
    %get3A_4 = vector.load %arg2[%get3A_2, %get3A_3] : memref<1x1024xf32, #tpu.memory_space<vmem>>, vector<1x1024xf32>
    %concatenate3A = tpu.concatenate %get3A_1, %get3A_4 in 0 : vector<16x1024xf32>, vector<1x1024xf32> -> vector<17x1024xf32>
    %get3A_5 = arith.constant 0 : index
    %get3A_6 = arith.constant 0 : index
    %get3A_7 = vector.load %arg3[%get3A_5, %get3A_6] : memref<17x1024xf32, #tpu.memory_space<vmem>>, vector<17x1024xf32>
    %dot_general3A = arith.constant dense<0.000000e+00> : vector<1024x1024xf32>
    %dot_general3A_8 = tpu.matmul %concatenate3A, %get3A_7, %dot_general3A {dimension_numbers = #tpu.dot_dimension_numbers<[0], [0], [1], [1], [0, 1, 1, 1], [], []>, transpose_lhs_hint = false} : vector<17x1024xf32>, vector<17x1024xf32>, vector<1024x1024xf32> -> vector<1024x1024xf32>
    %swap3A = arith.constant 0 : index
    %swap3A_9 = arith.constant 0 : index
    %swap3A_10 = vector.load %arg4[%swap3A, %swap3A_9] : memref<1024x1024xf32, #tpu.memory_space<vmem>>, vector<1024x1024xf32>
    tpu.vector_store %arg4[%swap3A, %swap3A_9], %dot_general3A_8 {strides = array<i32>} : memref<1024x1024xf32, #tpu.memory_space<vmem>>, vector<1024x1024xf32>,
    return
  }
  func.func @transform_0(%arg0: i32) -> (i32, i32) {
    %c0_i32 = arith.constant 0 : i32
    %c0_i32_0 = arith.constant 0 : i32
    return %c0_i32, %arg0 : i32, i32
  }
  func.func @transform_1(%arg0: i32) -> (i32, i32) {
    %c0_i32 = arith.constant 0 : i32
    %c0_i32_0 = arith.constant 0 : i32
    return %c0_i32, %arg0 : i32, i32
  }
  func.func @transform_2(%arg0: i32) -> (i32, i32) {
    %c0_i32 = arith.constant 0 : i32
    %c0_i32_0 = arith.constant 0 : i32
    %c0_i32_1 = arith.constant 0 : i32
    return %c0_i32, %c0_i32_0 : i32, i32
  }
  func.func @transform_3(%arg0: i32) -> (i32, i32) {
    %c0_i32 = arith.constant 0 : i32
    %c0_i32_0 = arith.constant 0 : i32
    return %arg0, %c0_i32 : i32, i32
  }
}

</mosaic_0001>

<sc_bundles>
// kernel: kernel.4.cloned.1.call-start
scs
__scs_entry_jumppad:
0x0: {  	(pc) =	sbr.rel $0x88, $3  }
0x1: {  	(tag) =	ssettag $0x0;
	lr =	simm.s32 $0x1  }
0x2: {  	[smem:$0x3F9D] =	sst lr;
	_ =	strace $0xD0000000  }
0x3: {  	_ = 	snop  }
0x4: {  	_ = 	snop  }
0x5: {  	_ = 	snop  }
0x6: {  	_ = 	snop  }
0x7: {  	_ = 	snop  }
__scs_overlays_trampoline_lowered:
0x8: {  	[smem:$0x3FAC] =	sst s0  }
0x9: {  	[smem:$0x3FAD] =	sst s1  }
0xa: {  	[smem:$0x3FAE] =	sst s2  }
0xb: {  	[smem:$0x3FAF] =	sst s3  }
0xc: {  	[smem:$0x3FB0] =	sst s4  }
0xd: {  	[smem:$0x3FB1] =	sst s5  }
0xe: {  	[smem:$0x3FB2] =	sst s6  }
0xf: {  	[smem:$0x3FB3] =	sst s7  }
0x10: {  	[smem:$0x3FB4] =	sst s8  }
0x11: {  	[smem:$0x3FB5] =	sst s9;
	s0 =	simm.s32 @!p0 $0x0  }
0x12: {  	s1 =	sld [smem:$0x3F9B];
	s0 =	simm.s32 @p0 $0x1  }
0x13: {  	[smem:$0x3FB6] =	sst s0;
	s0 =	simm.s32 @!p1 $0x0  }
0x14: {  	s2 =	sld [smem:$0x3F9A];
	s0 =	simm.s32 @p1 $0x1  }
0x15: {  	[smem:$0x3FB7] =	sst s0;
	s0 =	simm.s32 @!p2 $0x0  }
0x16: {  	s3 =	sld [smem:$0x3FDB];
	s0 =	simm.s32 @p2 $0x1  }
0x17: {  	s4 =	simm.s32 $0x1BF5;
	[smem:$0x3FB9] =	sst s0  }
0x18: {  	s0 =	sld [smem:$0x3F9C];
	_ =	swait.ge [sflag:s4], $0x0  }
0x19: {  	s7 =	sld [smem:$0x3F9D]  }
0x1a: {  	s8 =	sadd.s32 $0xFFFFE003, lr  }
0x1b: {  	s9 =	sadd.s32 $0xFFFFFEF7, lr;
	s5 =	simm.s32 $0xFFFFFFFF;
	p2 =	slt.u32 s8, $0xFFFFF086  }
0x1c: {  	p1 =	slt.u32 s9, $0xF7A;
	s5 =	simm.s32 @!p2 $0x0  }
0x1d: {  	s5 =	simm.s32 @p1 $0x1;
	p0 =	seq.s32 s7, s2  }
0x1e: {  	s7 =	smul.u32 @!p0 $0xF7A, s2;
	p2 =	seq.s32 @!p0 s5, $0x0  }
0x1f: {  	s9 =	smul.u32 $0xF7A, s1;
	s8 =	simm.s32 @!p0 $0x1BF5;
	p2 =	por !p2, p0  }
0x20: {  	[sflag:s8] =	ssyncset.s32 @!p0 $0xFFFFF086;
	s6 =	sadd.s32 @!p0 s3, s7;
	s7 =	simm.s32 @!p0 $0x108  }
0x21: {  	s3 =	sadd.s32 s3, s9;
	s6 =	sadd.s32 @!p0 $0x88, s6;
	s7 =	simm.s32 @p2 $0x1082  }
0x22: {  	[simem:s7], [sflag:s8] =	dma.local @!p0 [hbm:s6], $0xF7A  }
0x23: {  	s9 =	sor.u32 $0xD0000000, s2;
	s6 =	simm.s32 $0x108;
	_ =	swait.ge @!p0 [sflag:s8], $0x0  }
0x24: {  	s3 =	sadd.s32 $0x88, s3;
	s6 =	simm.s32 @!p1 $0x1082;
	[sflag:s4] =	ssyncset.s32 $0xFFFFF086  }
0x25: {  	[simem:s6], [sflag:s4] =	dma.local [hbm:s3], $0xF7A  }
0x26: {  	[smem:$0x3F9D] =	sst s1;
	(tag) =	ssettag s2;
	_ =	strace s9  }
0x27: {  	s1 =	sld [smem:$0x3FAD]  }
0x28: {  	s2 =	sld [smem:$0x3FAE]  }
0x29: {  	s4 =	sld [smem:$0x3FB0]  }
0x2a: {  	p0 =	seq.s32 s5, $0x0;
	s5 =	sld [smem:$0x3FB1]  }
0x2b: {  	s6 =	sld [smem:$0x3FB2]  }
0x2c: {  	s7 =	sld [smem:$0x3FB3]  }
0x2d: {  	s3 =	simm.s32 $0x108;
	s8 =	sld [smem:$0x3FB4]  }
0x2e: {  	s3 =	simm.s32 @!p0 $0x1082;
	s9 =	sld [smem:$0x3FB5]  }
0x2f: {  	lr =	sadd.s32 s0, s3;
	s0 =	sld [smem:$0x3FAC]  }
0x30: {  	s3 =	sld [smem:$0x3FAF]  }
0x31: {  	[smem:$0x3FB8] =	sst s10  }
0x32: {  	s10 =	sld [smem:$0x3FB6];
	_ =	sdelay $0x3  }
0x33: {  	p0 =	seq.s32 s10, $0x1;
	s10 =	sld [smem:$0x3FB8];
	_ =	sdelay $0x3  }
0x34: {  	[smem:$0x3FB8] =	sst s10  }
0x35: {  	s10 =	sld [smem:$0x3FB7];
	_ =	sdelay $0x3  }
0x36: {  	p1 =	seq.s32 s10, $0x1;
	s10 =	sld [smem:$0x3FB8];
	_ =	sdelay $0x3  }
0x37: {  	[smem:$0x3FB8] =	sst s10  }
0x38: {  	s10 =	sld [smem:$0x3FB9]  }
0x39: {  	_ = 	snop;
	(pc) =	sbr.ind lr, $3  }
0x3a: {  	_ = 	snop  }
0x3b: {  	_ = 	snop  }
0x3c: {  	p2 =	seq.s32 s10, $0x1;
	s10 =	sld [smem:$0x3FB8]  }
0x3d: {  	_ =	shalt  }
0x3e: {  	_ =	shalt  }
0x3f: {  	_ =	shalt  }
0x40: {  	_ =	shalt  }
0x41: {  	_ =	shalt  }
0x42: {  	_ =	shalt  }
0x43: {  	_ =	shalt  }
0x44: {  	_ =	shalt  }
0x45: {  	_ =	shalt  }
0x46: {  	_ =	shalt  }
0x47: {  	_ =	shalt  }
0x48: {  	_ =	shalt  }
0x49: {  	_ =	shalt  }
0x4a: {  	_ =	shalt  }
0x4b: {  	_ =	shalt  }
0x4c: {  	_ =	shalt  }
0x4d: {  	_ =	shalt  }
0x4e: {  	_ =	shalt  }
0x4f: {  	_ =	shalt  }
0x50: {  	_ =	shalt  }
0x51: {  	_ =	shalt  }
0x52: {  	_ =	shalt  }
0x53: {  	_ =	shalt  }
0x54: {  	_ =	shalt  }
0x55: {  	_ =	shalt  }
0x56: {  	_ =	shalt  }
0x57: {  	_ =	shalt  }
0x58: {  	_ =	shalt  }
0x59: {  	_ =	shalt  }
0x5a: {  	_ =	shalt  }
0x5b: {  	_ =	shalt  }
0x5c: {  	_ =	shalt  }
0x5d: {  	_ =	shalt  }
0x5e: {  	_ =	shalt  }
0x5f: {  	_ =	shalt  }
0x60: {  	_ =	shalt  }
0x61: {  	_ =	shalt  }
0x62: {  	_ =	shalt  }
0x63: {  	_ =	shalt  }
0x64: {  	_ =	shalt  }
0x65: {  	_ =	shalt  }
0x66: {  	_ =	shalt  }
0x67: {  	_ =	shalt  }
0x68: {  	_ =	shalt  }
0x69: {  	_ =	shalt  }
0x6a: {  	_ =	shalt  }
0x6b: {  	_ =	shalt  }
0x6c: {  	_ =	shalt  }
0x6d: {  	_ =	shalt  }
0x6e: {  	_ =	shalt  }
0x6f: {  	_ =	shalt  }
0x70: {  	_ =	shalt  }
0x71: {  	_ =	shalt  }
0x72: {  	_ =	shalt  }
0x73: {  	_ =	shalt  }
0x74: {  	_ =	shalt  }
0x75: {  	_ =	shalt  }
0x76: {  	_ =	shalt  }
0x77: {  	_ =	shalt  }
0x78: {  	_ =	shalt  }
0x79: {  	_ =	shalt  }
0x7a: {  	_ =	shalt  }
0x7b: {  	_ =	shalt  }
0x7c: {  	_ =	shalt  }
0x7d: {  	_ =	shalt  }
0x7e: {  	_ =	shalt  }
0x7f: {  	_ =	shalt  }
0x80: {  	_ =	shalt  }
0x81: {  	_ =	shalt  }
0x82: {  	_ =	shalt  }
0x83: {  	_ =	shalt  }
0x84: {  	_ =	shalt  }
0x85: {  	_ =	shalt  }
0x86: {  	_ =	shalt  }
0x87: {  	_ =	shalt  }
.Lfunc_end0:
.L_simem_size_0:
called_computation_lowered:
.L_overlay_start_0:
0x88: {  	s2 =	sld [smem:$0x3FD9]  }
0x89: {  	s3 =	sld [smem:$0x3FFE];
	_ =	sdelay $0x1  }
0x8a: {  	s1 =	srdreg.scid  }
0x8b: {  	s0 =	sand.u32 $0x1, s1  }
0x8c: {  	s17 =	sshll.u32 s0, $0xA;
	s2 =	sadd.s32 s3, s2  }
0x8d: {  	s2 =	sadd.s32 s2, s17  }
0x8e: {  	[smem:$0x3FC4] =	sst s2  }
0x8f: {  	_ = 	snop  }
0x90: {  	s2 =	sld [smem:$0x3FC9]  }
0x91: {  	s18 =	sld [smem:$0x3FD0];
	(tm) =	ssettm $0x1  }
0x92: {  	s4 =	sld [smem:$0x3FFB];
	_ =	sdelay $0x3  }
0x93: {  	_ =	strace s4  }
0x94: {  	s4 =	sld [smem:$0x3FFC];
	_ =	sdelay $0x3  }
0x95: {  	_ =	strace s4  }
0x96: {  	s4 =	sld [smem:$0x3FFD];
	_ =	sdelay $0x3  }
0x97: {  	_ =	strace s4  }
0x98: {  	_ =	strace $0x8FFFFFFF  }
0x99: {  	s19 =	sld [smem:$0x3FDB];
	_ =	sdelay $0x1  }
0x9a: {  	s5 =	simm.s32 $_scs_section_size  }
0x9b: {  	s6 =	simm.s32 $_size__tile_overlayer_lowered;
	s7 =	simm.s32 $_tile_overlayer_lowered  }
0x9c: {  	s22 =	simm.s32 $0x1BFF;
	s21 =	sshll.u32 s7, $0x1;
	s4 =	sadd.s32 s5, s19  }
0x9d: {  	s8 =	simm.s32 $0x0;
	s20 =	sshll.u32 s6, $0x1;
	s6 =	sadd.s32 s21, s4  }
0x9e: {  	[timem:s8], [sflag:s22] =	dma.local [hbm:s6], s20  }
0x9f: {  	_ =	swait.ge [sflag:s22], s20  }
0xa0: {  	s5 =	ssub.s32 $0x0, s20;
	[sflag:s22] =	ssyncset.done $0x0  }
0xa1: {  	[sflag:s22] =	ssyncadd.s32 s5;
	_ =	sdelay $0x1  }
0xa2: {  	s23 =	simm.s32 $0x1B8B  }
0xa3: {  	_ =	swait.ge [sflag:s23], $0x1  }
0xa4: {  	[sflag:s23] =	ssyncset.done $0x0  }
0xa5: {  	s25 =	simm.s32 $0x1B8E;
	s24 =	sld [smem:$0x3FFE];
	[sflag:s23] =	ssyncadd.s32 $0xFFFFFFFF  }
0xa6: {  	s26 =	simm.s32 $execute0_lowered;
	[smem:$0x3FD2] =	sst s25  }
0xa7: {  	s6 =	sshll.u32 s26, $0x1;
	_ =	strace $0x80000046;
	[dreg:$0x1] =	wrdreg $0xFFFFFFFF  }
0xa8: {  	s28 =	simm.s32 $_size_execute0_lowered;
	s4 =	sadd.s32 s4, s6;
	[dreg:$0x0] =	wrdreg $0x0  }
0xa9: {  	s6 =	sshll.u32 s28, $0x1;
	[dreg:$0x2] =	wrdreg s4  }
0xaa: {  	[dreg:$0x3] =	wrdreg s6  }
0xab: {  	[dreg:$0x4] =	wrdreg $0xC0  }
0xac: {  	_ =	task [dreg:s8], $0x5FFFF  }
0xad: {  	[dreg:$0x1] =	wrdreg $0xFFFFFFFF  }
0xae: {  	[dreg:$0x0] =	wrdreg $0x60  }
0xaf: {  	[dreg:$0x2] =	wrdreg s18  }
0xb0: {  	[dreg:$0x3] =	wrdreg s2  }
0xb1: {  	[dreg:$0x4] =	wrdreg s24  }
0xb2: {  	[dreg:$0x5] =	wrdreg $0x9  }
0xb3: {  	_ =	task.clear_ibuf [dreg:s8], $0x6FFFF;
	_ =	strace $0x90000046  }
0xb4: {  	s29 =	simm.s32 $0x9;
	_ =	strace $0x80000048  }
0xb5: {  	_ =	swait.ge [sflag:s29], $0x1  }
0xb6: {  	[sflag:s29] =	ssyncadd.s32 $0xFFFFFFFF  }
0xb7: {  	_ =	strace $0x90000048  }
0xb8: {  	_ =	sfence  }
0xb9: {  	s30 =	sld [smem:$0x0];
	_ =	sdelay $0x2  }
0xba: {  	s31 =	sshll.u32 s1, $0xD;
	s1 =	sshrl.u32 s1, $0x2  }
0xbb: {  	s3 =	sand.u32 $0x4000, s31;
	s1 =	sadd.s32 s1, s30  }
0xbc: {  	s0 =	sor.u32 s3, s0;
	s1 =	sshll.u32 s1, $0x11  }
0xbd: {  	s0 =	sor.u32 s1, s0  }
0xbe: {  	s0 =	sadd.s32 $0x8F2B, s0  }
0xbf: {  	[sflag:s0] =	ssyncadd.remote.s32 $0x1  }
0xc0: {  	_ =	sfence.sel $0xFFFF  }
0xc1: {  	[dreg:$0x0] =	wrdreg $0xFFFFFFFF;
	(pc) =	sbr.abs _section_cstart, $3  }
0xc2: {  	[dreg:$0x1] =	wrdreg $0xFFFFFFFF  }
0xc3: {  	_ =	task.clear_ibuf [dreg:s8], $0x2FFFF;
	_ =	strace $0x9FFFFFFF  }
0xc4: {  	(tm) =	ssettm $0x7FFFFFFF  }
0xc5: {  	_ =	shalt  }
tec
execute0_lowered:
.L_overlay_start_1:
0x0: {  	(tag) =	ssettag $0x1  }
0x1: {  	s6 =	rddreg [dreg:$0x0]  }
0x2: {  	s0 =	rddreg [dreg:$0x1]  }
0x3: {  	s2 =	rddreg [dreg:$0x2]  }
0x4: {  	s3 =	srdreg.scid;
	s1 =	stileid.u32  }
0x5: {  	s7 =	simm.s32 $0x0;
	s8 =	simm.s32 $0x40;
	s9 =	simm.s32 $0x60  }
0x6: {  	s10 =	simm.s32 $0x80;
	s12 =	simm.s32 $0xA0;
	s13 =	simm.s32 $0xC0  }
0x7: {  	s14 =	simm.s32 $0xE0;
	s25 =	simm.s32 $0x100;
	s26 =	simm.s32 $0x120  }
0x8: {  	s31 =	simm.s32 $0x140;
	s30 =	simm.s32 $0x160;
	s29 =	simm.s32 $0x180  }
0x9: {  	s28 =	simm.s32 $0x1A0;
	s24 =	simm.s32 $0x1C0;
	s23 =	simm.s32 $0x30  }
0xa: {  	s22 =	simm.s32 $0x50;
	s21 =	simm.s32 $0x70;
	[smem:$0x7FF] =	sst s7  }
0xb: {  	s20 =	simm.s32 $0x90;
	_ =	strace $0x80000047;
	[dreg:$0x6] =	wrdreg s8  }
0xc: {  	s19 =	simm.s32 $0xB0;
	s18 =	simm.s32 $0xD0;
	[dreg:$0x7] =	wrdreg s9  }
0xd: {  	s17 =	simm.s32 $0xF0;
	s16 =	simm.s32 $0x110;
	[dreg:$0x8] =	wrdreg s10  }
0xe: {  	p0 =	por $0x0, $0x0;
	s3 =	sand.u32 $0x1, s3;
	[dreg:$0x9] =	wrdreg s12  }
0xf: {  	s4 =	sshll.u32 s1, $0x3;
	s5 =	sshll.u32 s3, $0x2;
	[dreg:$0xa] =	wrdreg s13  }
0x10: {  	s11 =	ssub.s32 $0x2, s3;
	[dreg:$0xb] =	wrdreg s14;
	s4 =	sor.u32 s5, s4  }
0x11: {  	[dreg:$0xc] =	wrdreg s25;
	s3 =	sshrl.u32 s11, $0x1;
	s2 =	sadd.s32 s4, s2  }
0x12: {  	[dreg:$0xd] =	wrdreg s26;
	s5 =	sadd.s32 $0xE00, s2;
	s2 =	ssub.s32 s11, s3  }
0x13: {  	s25 =	simm.s32 $0x1E0;
	s26 =	simm.s32 $0x200;
	s15 =	smax.u32 s2, $0x1  }
0x14: {  	s14 =	simm.s32 $0x130;
	s12 =	simm.s32 $0x150;
	p1 =	sne.s32 s15, $0x1  }
.Ltmp0:
0x15: {  	s9 =	simm.s32 $0x170;
	s8 =	simm.s32 $0x190;
	(pc) =	sbr.rel @!p1 .LBB2_3-.Ltmp0, $4  }
0x16: {  	s13 =	simm.s32 $0x1B0;
	s10 =	simm.s32 $0x1D0;
	s0 =	sadd.s32 s0, s4  }
0x17: {  	s4 =	simm.s32 $0x1;
	[dreg:$0x4] =	wrdreg s0;
	s3 =	simm.s32 $0x20  }
0x18: {  	s11 =	simm.s32 $0x1F0;
	[dreg:$0x5] =	wrdreg s5;
	s2 =	simm.s32 $0x2  }
0x19: {  	vm0 =	vmmov $0xffff;
	v0 =	vimm.f32 $1.000000000e+00;
	s5 =	simm.s32 $0x400;
	s0 =	sadd.s32 $0xFFFFFFFF, s15;
	s15 =	simm.s32 $0x210  }
0x1a: {  	s1 =	rddreg [dreg:$0x4]  }
0x1b: {  	[tilespmem:s7], [sflag:$0x2] =	stream.linear.gather [hbm4b:s1+s7], $0x20, $0x38;
	[tilespmem:$0x240] =	vst v63  }
0x1c: {  	_ =	swait.ge [sflag:s2], $0x20  }
0x1d: {  	[sflag:s2] =	ssyncset.done $0x0  }
0x1e: {  	[sflag:s2] =	ssyncadd.s32 $0xFFFFFFE0  }
0x1f: {  	v1 =	vld [tilespmem:$0x0];
	_ =	sdelay $0x4  }
0x20: {  	v2 =	vadd.s32 $0x186A0, v1;
	_ =	sdelay $0x1  }
0x21: {  	[dreg:$0xe] =	wrdreg s0;
	v3 =	vadd.s32 $0x30D40, v1  }
0x22: {  	[tilespmem:s3], [sflag:$0x1] =	stream.indirect_vreg.gather [hbm4b:s6+s7], $0x1, v1, vm0, $0xb8;
	[tilespmem:$0x240] =	vst v63  }
0x23: {  	s1 =	rddreg [dreg:$0x6];
	v4 =	vadd.s32 $0x493E0, v1  }
0x24: {  	[tilespmem:s1], [sflag:$0x1] =	stream.indirect_vreg.gather [hbm4b:s6+s7], $0x1, v2, vm0, $0xb8;
	[tilespmem:$0x240] =	vst v63  }
0x25: {  	s0 =	rddreg [dreg:$0x7];
	v2 =	vadd.s32 $0x61A80, v1  }
0x26: {  	[tilespmem:s0], [sflag:$0x1] =	stream.indirect_vreg.gather [hbm4b:s6+s7], $0x1, v3, vm0, $0xb8;
	[tilespmem:$0x240] =	vst v63  }
0x27: {  	s1 =	rddreg [dreg:$0x8];
	v3 =	vadd.s32 $0x7A120, v1  }
0x28: {  	[tilespmem:s1], [sflag:$0x1] =	stream.indirect_vreg.gather [hbm4b:s6+s7], $0x1, v4, vm0, $0xb8;
	[tilespmem:$0x240] =	vst v63  }
0x29: {  	v57 =	vadd.s32 $0x927C0, v1;
	s0 =	rddreg [dreg:$0x9]  }
0x2a: {  	[tilespmem:s0], [sflag:$0x1] =	stream.indirect_vreg.gather [hbm4b:s6+s7], $0x1, v2, vm0, $0xb8;
	[tilespmem:$0x240] =	vst v63  }
0x2b: {  	s1 =	rddreg [dreg:$0xa];
	v2 =	vadd.s32 $0xAAE60, v1  }
0x2c: {  	[tilespmem:s1], [sflag:$0x1] =	stream.indirect_vreg.gather [hbm4b:s6+s7], $0x1, v3, vm0, $0xb8;
	[tilespmem:$0x240] =	vst v63  }
0x2d: {  	s0 =	rddreg [dreg:$0xb];
	v3 =	vadd.s32 $0xC3500, v1  }
0x2e: {  	[tilespmem:s0], [sflag:$0x1] =	stream.indirect_vreg.gather [hbm4b:s6+s7], $0x1, v57, vm0, $0xb8;
	[tilespmem:$0x240] =	vst v63  }
0x2f: {  	v58 =	vadd.s32 $0xDBBA0, v1;
	s1 =	rddreg [dreg:$0xc]  }
0x30: {  	[tilespmem:s1], [sflag:$0x1] =	stream.indirect_vreg.gather [hbm4b:s6+s7], $0x1, v2, vm0, $0xb8;
	[tilespmem:$0x240] =	vst v63  }
0x31: {  	s0 =	rddreg [dreg:$0xd];
	v2 =	vadd.s32 $0xF4240, v1  }
0x32: {  	[tilespmem:s0], [sflag:$0x1] =	stream.indirect_vreg.gather [hbm4b:s6+s7], $0x1, v3, vm0, $0xb8;
	[tilespmem:$0x240] =	vst v63  }
0x33: {  	v3 =	vadd.s32 $0x10C8E0, v1  }
0x34: {  	[tilespmem:s31], [sflag:$0x1] =	stream.indirect_vreg.gather [hbm4b:s6+s7], $0x1, v58, vm0, $0xb8;
	[tilespmem:$0x240] =	vst v63  }
0x35: {  	v59 =	vadd.s32 $0x124F80, v1  }
0x36: {  	[tilespmem:s30], [sflag:$0x1] =	stream.indirect_vreg.gather [hbm4b:s6+s7], $0x1, v2, vm0, $0xb8;
	[tilespmem:$0x240] =	vst v63  }
0x37: {  	v2 =	vadd.s32 $0x13D620, v1  }
0x38: {  	[tilespmem:s29], [sflag:$0x1] =	stream.indirect_vreg.gather [hbm4b:s6+s7], $0x1, v3, vm0, $0xb8;
	[tilespmem:$0x240] =	vst v63  }
0x39: {  	v3 =	vadd.s32 $0x155CC0, v1  }
0x3a: {  	[tilespmem:s28], [sflag:$0x1] =	stream.indirect_vreg.gather [hbm4b:s6+s7], $0x1, v59, vm0, $0xb8;
	[tilespmem:$0x240] =	vst v63  }
0x3b: {  	v1 =	vadd.s32 $0x16E360, v1  }
0x3c: {  	[tilespmem:s24], [sflag:$0x1] =	stream.indirect_vreg.gather [hbm4b:s6+s7], $0x1, v2, vm0, $0xb8;
	[tilespmem:$0x240] =	vst v63  }
0x3d: {  	_ = 	snop  }
0x3e: {  	[tilespmem:s25], [sflag:$0x1] =	stream.indirect_vreg.gather [hbm4b:s6+s7], $0x1, v3, vm0, $0xb8;
	[tilespmem:$0x240] =	vst v63  }
0x3f: {  	_ = 	snop  }
0x40: {  	[tilespmem:s26], [sflag:$0x1] =	stream.indirect_vreg.gather [hbm4b:s6+s7], $0x1, v1, vm0, $0xb8;
	[tilespmem:$0x240] =	vst v63  }
0x41: {  	v1 =	vld [tilespmem:$0x10];
	_ =	sdelay $0x4  }
0x42: {  	v2 =	vadd.s32 $0x186A0, v1;
	_ =	sdelay $0x1  }
0x43: {  	v3 =	vadd.s32 $0x30D40, v1  }
0x44: {  	[tilespmem:s23], [sflag:$0x1] =	stream.indirect_vreg.gather [hbm4b:s6+s7], $0x1, v1, vm0, $0xb8;
	[tilespmem:$0x240] =	vst v63  }
0x45: {  	v60 =	vadd.s32 $0x493E0, v1  }
0x46: {  	[tilespmem:s22], [sflag:$0x1] =	stream.indirect_vreg.gather [hbm4b:s6+s7], $0x1, v2, vm0, $0xb8;
	[tilespmem:$0x240] =	vst v63  }
0x47: {  	v2 =	vadd.s32 $0x61A80, v1  }
0x48: {  	[tilespmem:s21], [sflag:$0x1] =	stream.indirect_vreg.gather [hbm4b:s6+s7], $0x1, v3, vm0, $0xb8;
	[tilespmem:$0x240] =	vst v63  }
0x49: {  	v3 =	vadd.s32 $0x7A120, v1  }
0x4a: {  	[tilespmem:s20], [sflag:$0x1] =	stream.indirect_vreg.gather [hbm4b:s6+s7], $0x1, v60, vm0, $0xb8;
	[tilespmem:$0x240] =	vst v63  }
0x4b: {  	v61 =	vadd.s32 $0x927C0, v1  }
0x4c: {  	[tilespmem:s19], [sflag:$0x1] =	stream.indirect_vreg.gather [hbm4b:s6+s7], $0x1, v2, vm0, $0xb8;
	[tilespmem:$0x240] =	vst v63  }
0x4d: {  	v2 =	vadd.s32 $0xAAE60, v1  }
0x4e: {  	[tilespmem:s18], [sflag:$0x1] =	stream.indirect_vreg.gather [hbm4b:s6+s7], $0x1, v3, vm0, $0xb8;
	[tilespmem:$0x240] =	vst v63  }
0x4f: {  	v3 =	vadd.s32 $0xC3500, v1  }
0x50: {  	[tilespmem:s17], [sflag:$0x1] =	stream.indirect_vreg.gather [hbm4b:s6+s7], $0x1, v61, vm0, $0xb8;
	[tilespmem:$0x240] =	vst v63  }
0x51: {  	v62 =	vadd.s32 $0xDBBA0, v1  }
0x52: {  	[tilespmem:s16], [sflag:$0x1] =	stream.indirect_vreg.gather [hbm4b:s6+s7], $0x1, v2, vm0, $0xb8;
	[tilespmem:$0x240] =	vst v63  }
0x53: {  	v2 =	vadd.s32 $0xF4240, v1  }
0x54: {  	[tilespmem:s14], [sflag:$0x1] =	stream.indirect_vreg.gather [hbm4b:s6+s7], $0x1, v3, vm0, $0xb8;
	[tilespmem:$0x240] =	vst v63  }
0x55: {  	v3 =	vadd.s32 $0x10C8E0, v1  }
0x56: {  	[tilespmem:s12], [sflag:$0x1] =	stream.indirect_vreg.gather [hbm4b:s6+s7], $0x1, v62, vm0, $0xb8;
	[tilespmem:$0x240] =	vst v63  }
0x57: {  	v63 =	vadd.s32 $0x124F80, v1  }
0x58: {  	[tilespmem:s9], [sflag:$0x1] =	stream.indirect_vreg.gather [hbm4b:s6+s7], $0x1, v2, vm0, $0xb8;
	[tilespmem:$0x240] =	vst v63  }
0x59: {  	v2 =	vadd.s32 $0x13D620, v1  }
0x5a: {  	[tilespmem:s8], [sflag:$0x1] =	stream.indirect_vreg.gather [hbm4b:s6+s7], $0x1, v3, vm0, $0xb8;
	[tilespmem:$0x240] =	vst v63  }
0x5b: {  	v3 =	vadd.s32 $0x155CC0, v1  }
0x5c: {  	[tilespmem:s13], [sflag:$0x1] =	stream.indirect_vreg.gather [hbm4b:s6+s7], $0x1, v63, vm0, $0xb8;
	[tilespmem:$0x240] =	vst v63  }
0x5d: {  	v1 =	vadd.s32 $0x16E360, v1  }
0x5e: {  	[tilespmem:s10], [sflag:$0x1] =	stream.indirect_vreg.gather [hbm4b:s6+s7], $0x1, v2, vm0, $0xb8;
	[tilespmem:$0x240] =	vst v63  }
0x5f: {  	_ = 	snop  }
0x60: {  	[tilespmem:s11], [sflag:$0x1] =	stream.indirect_vreg.gather [hbm4b:s6+s7], $0x1, v3, vm0, $0xb8;
	[tilespmem:$0x240] =	vst v63  }
0x61: {  	_ = 	snop  }
0x62: {  	[tilespmem:s15], [sflag:$0x1] =	stream.indirect_vreg.gather [hbm4b:s6+s7], $0x1, v1, vm0, $0xb8;
	[tilespmem:$0x240] =	vst v63  }
0x63: {  	[tilespmem:$0x220] =	vst v0  }
0x64: {  	[tilespmem:$0x230] =	vst v0  }
0x65: {  	_ =	swait.ge [sflag:s4], $0x10  }
0x66: {  	[sflag:s4] =	ssyncset.done $0x0  }
0x67: {  	[sflag:s4] =	ssyncadd.s32 $0xFFFFFFF0  }
0x68: {  	_ =	swait.ge [sflag:s4], $0x10  }
0x69: {  	[sflag:s4] =	ssyncset.done $0x0  }
0x6a: {  	[sflag:s4] =	ssyncadd.s32 $0xFFFFFFF0  }
0x6b: {  	_ =	swait.ge [sflag:s4], $0x10  }
0x6c: {  	[sflag:s4] =	ssyncset.done $0x0  }
0x6d: {  	[sflag:s4] =	ssyncadd.s32 $0xFFFFFFF0  }
0x6e: {  	_ =	swait.ge [sflag:s4], $0x10  }
0x6f: {  	[sflag:s4] =	ssyncset.done $0x0  }
0x70: {  	[sflag:s4] =	ssyncadd.s32 $0xFFFFFFF0  }
0x71: {  	_ =	swait.ge [sflag:s4], $0x10  }
0x72: {  	[sflag:s4] =	ssyncset.done $0x0  }
0x73: {  	[sflag:s4] =	ssyncadd.s32 $0xFFFFFFF0  }
0x74: {  	_ =	swait.ge [sflag:s4], $0x10  }
0x75: {  	[sflag:s4] =	ssyncset.done $0x0  }
0x76: {  	[sflag:s4] =	ssyncadd.s32 $0xFFFFFFF0  }
0x77: {  	_ =	swait.ge [sflag:s4], $0x10  }
0x78: {  	[sflag:s4] =	ssyncset.done $0x0  }
0x79: {  	[sflag:s4] =	ssyncadd.s32 $0xFFFFFFF0  }
0x7a: {  	_ =	swait.ge [sflag:s4], $0x10  }
0x7b: {  	[sflag:s4] =	ssyncset.done $0x0  }
0x7c: {  	[sflag:s4] =	ssyncadd.s32 $0xFFFFFFF0  }
0x7d: {  	_ =	swait.ge [sflag:s4], $0x10  }
0x7e: {  	[sflag:s4] =	ssyncset.done $0x0  }
0x7f: {  	[sflag:s4] =	ssyncadd.s32 $0xFFFFFFF0  }
0x80: {  	_ =	swait.ge [sflag:s4], $0x10  }
0x81: {  	[sflag:s4] =	ssyncset.done $0x0  }
0x82: {  	[sflag:s4] =	ssyncadd.s32 $0xFFFFFFF0  }
0x83: {  	_ =	swait.ge [sflag:s4], $0x10  }
0x84: {  	[sflag:s4] =	ssyncset.done $0x0  }
0x85: {  	[sflag:s4] =	ssyncadd.s32 $0xFFFFFFF0  }
0x86: {  	_ =	swait.ge [sflag:s4], $0x10  }
0x87: {  	[sflag:s4] =	ssyncset.done $0x0  }
0x88: {  	[sflag:s4] =	ssyncadd.s32 $0xFFFFFFF0  }
0x89: {  	_ =	swait.ge [sflag:s4], $0x10  }
0x8a: {  	[sflag:s4] =	ssyncset.done $0x0  }
0x8b: {  	[sflag:s4] =	ssyncadd.s32 $0xFFFFFFF0  }
0x8c: {  	_ =	swait.ge [sflag:s4], $0x10  }
0x8d: {  	[sflag:s4] =	ssyncset.done $0x0  }
0x8e: {  	[sflag:s4] =	ssyncadd.s32 $0xFFFFFFF0  }
0x8f: {  	_ =	swait.ge [sflag:s4], $0x10  }
0x90: {  	[sflag:s4] =	ssyncset.done $0x0  }
0x91: {  	[sflag:s4] =	ssyncadd.s32 $0xFFFFFFF0  }
0x92: {  	_ =	swait.ge [sflag:s4], $0x10  }
0x93: {  	[sflag:s4] =	ssyncset.done $0x0  }
0x94: {  	[sflag:s4] =	ssyncadd.s32 $0xFFFFFFF0  }
0x95: {  	_ =	swait.ge [sflag:s4], $0x10  }
0x96: {  	[sflag:s4] =	ssyncset.done $0x0  }
0x97: {  	[sflag:s4] =	ssyncadd.s32 $0xFFFFFFF0  }
0x98: {  	_ =	swait.ge [sflag:s4], $0x10  }
0x99: {  	[sflag:s4] =	ssyncset.done $0x0  }
0x9a: {  	[sflag:s4] =	ssyncadd.s32 $0xFFFFFFF0  }
0x9b: {  	_ =	swait.ge [sflag:s4], $0x10  }
0x9c: {  	[sflag:s4] =	ssyncset.done $0x0  }
0x9d: {  	[sflag:s4] =	ssyncadd.s32 $0xFFFFFFF0  }
0x9e: {  	_ =	swait.ge [sflag:s4], $0x10  }
0x9f: {  	[sflag:s4] =	ssyncset.done $0x0  }
0xa0: {  	[sflag:s4] =	ssyncadd.s32 $0xFFFFFFF0  }
0xa1: {  	_ =	swait.ge [sflag:s4], $0x10  }
0xa2: {  	[sflag:s4] =	ssyncset.done $0x0  }
0xa3: {  	[sflag:s4] =	ssyncadd.s32 $0xFFFFFFF0  }
0xa4: {  	_ =	swait.ge [sflag:s4], $0x10  }
0xa5: {  	[sflag:s4] =	ssyncset.done $0x0  }
0xa6: {  	[sflag:s4] =	ssyncadd.s32 $0xFFFFFFF0  }
0xa7: {  	_ =	swait.ge [sflag:s4], $0x10  }
0xa8: {  	[sflag:s4] =	ssyncset.done $0x0  }
0xa9: {  	[sflag:s4] =	ssyncadd.s32 $0xFFFFFFF0  }
0xaa: {  	_ =	swait.ge [sflag:s4], $0x10  }
0xab: {  	[sflag:s4] =	ssyncset.done $0x0  }
0xac: {  	[sflag:s4] =	ssyncadd.s32 $0xFFFFFFF0  }
0xad: {  	_ =	swait.ge [sflag:s4], $0x10  }
0xae: {  	[sflag:s4] =	ssyncset.done $0x0  }
0xaf: {  	[sflag:s4] =	ssyncadd.s32 $0xFFFFFFF0  }
0xb0: {  	_ =	swait.ge [sflag:s4], $0x10  }
0xb1: {  	[sflag:s4] =	ssyncset.done $0x0  }
0xb2: {  	[sflag:s4] =	ssyncadd.s32 $0xFFFFFFF0  }
0xb3: {  	_ =	swait.ge [sflag:s4], $0x10  }
0xb4: {  	[sflag:s4] =	ssyncset.done $0x0  }
0xb5: {  	[sflag:s4] =	ssyncadd.s32 $0xFFFFFFF0  }
0xb6: {  	_ =	swait.ge [sflag:s4], $0x10  }
0xb7: {  	[sflag:s4] =	ssyncset.done $0x0  }
0xb8: {  	[sflag:s4] =	ssyncadd.s32 $0xFFFFFFF0  }
0xb9: {  	_ =	swait.ge [sflag:s4], $0x10  }
0xba: {  	[sflag:s4] =	ssyncset.done $0x0  }
0xbb: {  	[sflag:s4] =	ssyncadd.s32 $0xFFFFFFF0  }
0xbc: {  	_ =	swait.ge [sflag:s4], $0x10  }
0xbd: {  	[sflag:s4] =	ssyncset.done $0x0  }
0xbe: {  	[sflag:s4] =	ssyncadd.s32 $0xFFFFFFF0  }
0xbf: {  	_ =	swait.ge [sflag:s4], $0x10  }
0xc0: {  	[sflag:s4] =	ssyncset.done $0x0  }
0xc1: {  	[sflag:s4] =	ssyncadd.s32 $0xFFFFFFF0  }
0xc2: {  	_ =	swait.ge [sflag:s4], $0x10  }
0xc3: {  	[sflag:s4] =	ssyncset.done $0x0  }
0xc4: {  	s1 =	rddreg [dreg:$0x5];
	[sflag:s4] =	ssyncadd.s32 $0xFFFFFFF0  }
0xc5: {  	[hbm4b:s1+s3] =	stream.strided.scatter [tilespmem:s3], [sflag:$0x2], $0x220, s5, s3, $0x38;
	[tilespmem:$0x240] =	vst v63  }
0xc6: {  	s1 =	rddreg [dreg:$0xe]  }
0xc7: {  	p1 =	sne.s32 s1, $0x1  }
.Ltmp1:
0xc8: {  	_ = 	snop;
	(pc) =	sbr.rel @!p1 .LBB2_3-.Ltmp1, $2  }
0xc9: {  	_ =	sdelay $0x2  }
0xca: {  	p0 =	por $0x1, $0x1;
	s0 =	sadd.s32 $0xFFFFFFFF, s1;
	_ =	swait.ge [sflag:s2], $0x220  }
.LBB2_2:
0xcb: {  	[sflag:s2] =	ssyncset.done $0x0  }
0xcc: {  	s1 =	rddreg [dreg:$0x4];
	[sflag:s2] =	ssyncadd.s32 $0xFFFFFDE0  }
0xcd: {  	[tilespmem:s7], [sflag:$0x2] =	stream.linear.gather [hbm4b:s1+s7], $0x20, $0x38;
	[tilespmem:$0x240] =	vst v63  }
0xce: {  	_ =	swait.ge [sflag:s2], $0x20  }
0xcf: {  	[sflag:s2] =	ssyncset.done $0x0  }
0xd0: {  	[sflag:s2] =	ssyncadd.s32 $0xFFFFFFE0  }
0xd1: {  	v1 =	vld [tilespmem:$0x0];
	_ =	sdelay $0x4  }
0xd2: {  	v2 =	vadd.s32 $0x186A0, v1;
	_ =	sdelay $0x1  }
0xd3: {  	v3 =	vadd.s32 $0x30D40, v1  }
0xd4: {  	[tilespmem:s3], [sflag:$0x1] =	stream.indirect_vreg.gather [hbm4b:s6+s7], $0x1, v1, vm0, $0xb8;
	[tilespmem:$0x240] =	vst v63  }
0xd5: {  	s1 =	rddreg [dreg:$0x6];
	v4 =	vadd.s32 $0x493E0, v1  }
0xd6: {  	[tilespmem:s1], [sflag:$0x1] =	stream.indirect_vreg.gather [hbm4b:s6+s7], $0x1, v2, vm0, $0xb8;
	[tilespmem:$0x240] =	vst v63  }
0xd7: {  	s5 =	rddreg [dreg:$0x7];
	v2 =	vadd.s32 $0x61A80, v1  }
0xd8: {  	[tilespmem:s5], [sflag:$0x1] =	stream.indirect_vreg.gather [hbm4b:s6+s7], $0x1, v3, vm0, $0xb8;
	[tilespmem:$0x240] =	vst v63  }
0xd9: {  	s1 =	rddreg [dreg:$0x8];
	v3 =	vadd.s32 $0x7A120, v1  }
0xda: {  	[tilespmem:s1], [sflag:$0x1] =	stream.indirect_vreg.gather [hbm4b:s6+s7], $0x1, v4, vm0, $0xb8;
	[tilespmem:$0x240] =	vst v63  }
0xdb: {  	v57 =	vadd.s32 $0x927C0, v1;
	s5 =	rddreg [dreg:$0x9]  }
0xdc: {  	[tilespmem:s5], [sflag:$0x1] =	stream.indirect_vreg.gather [hbm4b:s6+s7], $0x1, v2, vm0, $0xb8;
	[tilespmem:$0x240] =	vst v63  }
0xdd: {  	s1 =	rddreg [dreg:$0xa];
	v2 =	vadd.s32 $0xAAE60, v1  }
0xde: {  	[tilespmem:s1], [sflag:$0x1] =	stream.indirect_vreg.gather [hbm4b:s6+s7], $0x1, v3, vm0, $0xb8;
	[tilespmem:$0x240] =	vst v63  }
0xdf: {  	s5 =	rddreg [dreg:$0xb];
	v3 =	vadd.s32 $0xC3500, v1  }
0xe0: {  	[tilespmem:s5], [sflag:$0x1] =	stream.indirect_vreg.gather [hbm4b:s6+s7], $0x1, v57, vm0, $0xb8;
	[tilespmem:$0x240] =	vst v63  }
0xe1: {  	v58 =	vadd.s32 $0xDBBA0, v1;
	s1 =	rddreg [dreg:$0xc]  }
0xe2: {  	[tilespmem:s1], [sflag:$0x1] =	stream.indirect_vreg.gather [hbm4b:s6+s7], $0x1, v2, vm0, $0xb8;
	[tilespmem:$0x240] =	vst v63  }
0xe3: {  	s5 =	rddreg [dreg:$0xd];
	v2 =	vadd.s32 $0xF4240, v1  }
0xe4: {  	[tilespmem:s5], [sflag:$0x1] =	stream.indirect_vreg.gather [hbm4b:s6+s7], $0x1, v3, vm0, $0xb8;
	[tilespmem:$0x240] =	vst v63  }
0xe5: {  	v3 =	vadd.s32 $0x10C8E0, v1  }
0xe6: {  	[tilespmem:s31], [sflag:$0x1] =	stream.indirect_vreg.gather [hbm4b:s6+s7], $0x1, v58, vm0, $0xb8;
	[tilespmem:$0x240] =	vst v63  }
0xe7: {  	v59 =	vadd.s32 $0x124F80, v1  }
0xe8: {  	[tilespmem:s30], [sflag:$0x1] =	stream.indirect_vreg.gather [hbm4b:s6+s7], $0x1, v2, vm0, $0xb8;
	[tilespmem:$0x240] =	vst v63  }
0xe9: {  	v2 =	vadd.s32 $0x13D620, v1  }
0xea: {  	[tilespmem:s29], [sflag:$0x1] =	stream.indirect_vreg.gather [hbm4b:s6+s7], $0x1, v3, vm0, $0xb8;
	[tilespmem:$0x240] =	vst v63  }
0xeb: {  	v3 =	vadd.s32 $0x155CC0, v1  }
0xec: {  	[tilespmem:s28], [sflag:$0x1] =	stream.indirect_vreg.gather [hbm4b:s6+s7], $0x1, v59, vm0, $0xb8;
	[tilespmem:$0x240] =	vst v63  }
0xed: {  	v1 =	vadd.s32 $0x16E360, v1  }
0xee: {  	[tilespmem:s24], [sflag:$0x1] =	stream.indirect_vreg.gather [hbm4b:s6+s7], $0x1, v2, vm0, $0xb8;
	[tilespmem:$0x240] =	vst v63  }
0xef: {  	_ = 	snop  }
0xf0: {  	[tilespmem:s25], [sflag:$0x1] =	stream.indirect_vreg.gather [hbm4b:s6+s7], $0x1, v3, vm0, $0xb8;
	[tilespmem:$0x240] =	vst v63  }
0xf1: {  	_ = 	snop  }
0xf2: {  	[tilespmem:s26], [sflag:$0x1] =	stream.indirect_vreg.gather [hbm4b:s6+s7], $0x1, v1, vm0, $0xb8;
	[tilespmem:$0x240] =	vst v63  }
0xf3: {  	v1 =	vld [tilespmem:$0x10];
	_ =	sdelay $0x4  }
0xf4: {  	v2 =	vadd.s32 $0x186A0, v1;
	_ =	sdelay $0x1  }
0xf5: {  	v3 =	vadd.s32 $0x30D40, v1  }
0xf6: {  	[tilespmem:s23], [sflag:$0x1] =	stream.indirect_vreg.gather [hbm4b:s6+s7], $0x1, v1, vm0, $0xb8;
	[tilespmem:$0x240] =	vst v63  }
0xf7: {  	v60 =	vadd.s32 $0x493E0, v1  }
0xf8: {  	[tilespmem:s22], [sflag:$0x1] =	stream.indirect_vreg.gather [hbm4b:s6+s7], $0x1, v2, vm0, $0xb8;
	[tilespmem:$0x240] =	vst v63  }
0xf9: {  	v2 =	vadd.s32 $0x61A80, v1  }
0xfa: {  	[tilespmem:s21], [sflag:$0x1] =	stream.indirect_vreg.gather [hbm4b:s6+s7], $0x1, v3, vm0, $0xb8;
	[tilespmem:$0x240] =	vst v63  }
0xfb: {  	v3 =	vadd.s32 $0x7A120, v1  }
0xfc: {  	[tilespmem:s20], [sflag:$0x1] =	stream.indirect_vreg.gather [hbm4b:s6+s7], $0x1, v60, vm0, $0xb8;
	[tilespmem:$0x240] =	vst v63  }
0xfd: {  	v61 =	vadd.s32 $0x927C0, v1  }
0xfe: {  	[tilespmem:s19], [sflag:$0x1] =	stream.indirect_vreg.gather [hbm4b:s6+s7], $0x1, v2, vm0, $0xb8;
	[tilespmem:$0x240] =	vst v63  }
0xff: {  	v2 =	vadd.s32 $0xAAE60, v1  }
0x100: {  	[tilespmem:s18], [sflag:$0x1] =	stream.indirect_vreg.gather [hbm4b:s6+s7], $0x1, v3, vm0, $0xb8;
	[tilespmem:$0x240] =	vst v63  }
0x101: {  	v3 =	vadd.s32 $0xC3500, v1  }
0x102: {  	[tilespmem:s17], [sflag:$0x1] =	stream.indirect_vreg.gather [hbm4b:s6+s7], $0x1, v61, vm0, $0xb8;
	[tilespmem:$0x240] =	vst v63  }
0x103: {  	v62 =	vadd.s32 $0xDBBA0, v1  }
0x104: {  	[tilespmem:s16], [sflag:$0x1] =	stream.indirect_vreg.gather [hbm4b:s6+s7], $0x1, v2, vm0, $0xb8;
	[tilespmem:$0x240] =	vst v63  }
0x105: {  	v2 =	vadd.s32 $0xF4240, v1  }
0x106: {  	[tilespmem:s14], [sflag:$0x1] =	stream.indirect_vreg.gather [hbm4b:s6+s7], $0x1, v3, vm0, $0xb8;
	[tilespmem:$0x240] =	vst v63  }
0x107: {  	v3 =	vadd.s32 $0x10C8E0, v1  }
0x108: {  	[tilespmem:s12], [sflag:$0x1] =	stream.indirect_vreg.gather [hbm4b:s6+s7], $0x1, v62, vm0, $0xb8;
	[tilespmem:$0x240] =	vst v63  }
0x109: {  	v63 =	vadd.s32 $0x124F80, v1  }
0x10a: {  	[tilespmem:s9], [sflag:$0x1] =	stream.indirect_vreg.gather [hbm4b:s6+s7], $0x1, v2, vm0, $0xb8;
	[tilespmem:$0x240] =	vst v63  }
0x10b: {  	v2 =	vadd.s32 $0x13D620, v1  }
0x10c: {  	[tilespmem:s8], [sflag:$0x1] =	stream.indirect_vreg.gather [hbm4b:s6+s7], $0x1, v3, vm0, $0xb8;
	[tilespmem:$0x240] =	vst v63  }
0x10d: {  	v3 =	vadd.s32 $0x155CC0, v1  }
0x10e: {  	[tilespmem:s13], [sflag:$0x1] =	stream.indirect_vreg.gather [hbm4b:s6+s7], $0x1, v63, vm0, $0xb8;
	[tilespmem:$0x240] =	vst v63  }
0x10f: {  	v1 =	vadd.s32 $0x16E360, v1  }
0x110: {  	[tilespmem:s10], [sflag:$0x1] =	stream.indirect_vreg.gather [hbm4b:s6+s7], $0x1, v2, vm0, $0xb8;
	[tilespmem:$0x240] =	vst v63  }
0x111: {  	_ = 	snop  }
0x112: {  	[tilespmem:s11], [sflag:$0x1] =	stream.indirect_vreg.gather [hbm4b:s6+s7], $0x1, v3, vm0, $0xb8;
	[tilespmem:$0x240] =	vst v63  }
0x113: {  	_ = 	snop  }
0x114: {  	[tilespmem:s15], [sflag:$0x1] =	stream.indirect_vreg.gather [hbm4b:s6+s7], $0x1, v1, vm0, $0xb8;
	[tilespmem:$0x240] =	vst v63  }
0x115: {  	[tilespmem:$0x220] =	vst v0  }
0x116: {  	[tilespmem:$0x230] =	vst v0  }
0x117: {  	_ =	swait.ge [sflag:s4], $0x10  }
0x118: {  	[sflag:s4] =	ssyncset.done $0x0  }
0x119: {  	[sflag:s4] =	ssyncadd.s32 $0xFFFFFFF0  }
0x11a: {  	_ =	swait.ge [sflag:s4], $0x10  }
0x11b: {  	[sflag:s4] =	ssyncset.done $0x0  }
0x11c: {  	[sflag:s4] =	ssyncadd.s32 $0xFFFFFFF0  }
0x11d: {  	_ =	swait.ge [sflag:s4], $0x10  }
0x11e: {  	[sflag:s4] =	ssyncset.done $0x0  }
0x11f: {  	[sflag:s4] =	ssyncadd.s32 $0xFFFFFFF0  }
0x120: {  	_ =	swait.ge [sflag:s4], $0x10  }
0x121: {  	[sflag:s4] =	ssyncset.done $0x0  }
0x122: {  	[sflag:s4] =	ssyncadd.s32 $0xFFFFFFF0  }
0x123: {  	_ =	swait.ge [sflag:s4], $0x10  }
0x124: {  	[sflag:s4] =	ssyncset.done $0x0  }
0x125: {  	[sflag:s4] =	ssyncadd.s32 $0xFFFFFFF0  }
0x126: {  	_ =	swait.ge [sflag:s4], $0x10  }
0x127: {  	[sflag:s4] =	ssyncset.done $0x0  }
0x128: {  	[sflag:s4] =	ssyncadd.s32 $0xFFFFFFF0  }
0x129: {  	_ =	swait.ge [sflag:s4], $0x10  }
0x12a: {  	[sflag:s4] =	ssyncset.done $0x0  }
0x12b: {  	[sflag:s4] =	ssyncadd.s32 $0xFFFFFFF0  }
0x12c: {  	_ =	swait.ge [sflag:s4], $0x10  }
0x12d: {  	[sflag:s4] =	ssyncset.done $0x0  }
0x12e: {  	[sflag:s4] =	ssyncadd.s32 $0xFFFFFFF0  }
0x12f: {  	_ =	swait.ge [sflag:s4], $0x10  }
0x130: {  	[sflag:s4] =	ssyncset.done $0x0  }
0x131: {  	[sflag:s4] =	ssyncadd.s32 $0xFFFFFFF0  }
0x132: {  	_ =	swait.ge [sflag:s4], $0x10  }
0x133: {  	[sflag:s4] =	ssyncset.done $0x0  }
0x134: {  	[sflag:s4] =	ssyncadd.s32 $0xFFFFFFF0  }
0x135: {  	_ =	swait.ge [sflag:s4], $0x10  }
0x136: {  	[sflag:s4] =	ssyncset.done $0x0  }
0x137: {  	[sflag:s4] =	ssyncadd.s32 $0xFFFFFFF0  }
0x138: {  	_ =	swait.ge [sflag:s4], $0x10  }
0x139: {  	[sflag:s4] =	ssyncset.done $0x0  }
0x13a: {  	[sflag:s4] =	ssyncadd.s32 $0xFFFFFFF0  }
0x13b: {  	_ =	swait.ge [sflag:s4], $0x10  }
0x13c: {  	[sflag:s4] =	ssyncset.done $0x0  }
0x13d: {  	[sflag:s4] =	ssyncadd.s32 $0xFFFFFFF0  }
0x13e: {  	_ =	swait.ge [sflag:s4], $0x10  }
0x13f: {  	[sflag:s4] =	ssyncset.done $0x0  }
0x140: {  	[sflag:s4] =	ssyncadd.s32 $0xFFFFFFF0  }
0x141: {  	_ =	swait.ge [sflag:s4], $0x10  }
0x142: {  	[sflag:s4] =	ssyncset.done $0x0  }
0x143: {  	[sflag:s4] =	ssyncadd.s32 $0xFFFFFFF0  }
0x144: {  	_ =	swait.ge [sflag:s4], $0x10  }
0x145: {  	[sflag:s4] =	ssyncset.done $0x0  }
0x146: {  	[sflag:s4] =	ssyncadd.s32 $0xFFFFFFF0  }
0x147: {  	_ =	swait.ge [sflag:s4], $0x10  }
0x148: {  	[sflag:s4] =	ssyncset.done $0x0  }
0x149: {  	[sflag:s4] =	ssyncadd.s32 $0xFFFFFFF0  }
0x14a: {  	_ =	swait.ge [sflag:s4], $0x10  }
0x14b: {  	[sflag:s4] =	ssyncset.done $0x0  }
0x14c: {  	[sflag:s4] =	ssyncadd.s32 $0xFFFFFFF0  }
0x14d: {  	_ =	swait.ge [sflag:s4], $0x10  }
0x14e: {  	[sflag:s4] =	ssyncset.done $0x0  }
0x14f: {  	[sflag:s4] =	ssyncadd.s32 $0xFFFFFFF0  }
0x150: {  	_ =	swait.ge [sflag:s4], $0x10  }
0x151: {  	[sflag:s4] =	ssyncset.done $0x0  }
0x152: {  	[sflag:s4] =	ssyncadd.s32 $0xFFFFFFF0  }
0x153: {  	_ =	swait.ge [sflag:s4], $0x10  }
0x154: {  	[sflag:s4] =	ssyncset.done $0x0  }
0x155: {  	[sflag:s4] =	ssyncadd.s32 $0xFFFFFFF0  }
0x156: {  	_ =	swait.ge [sflag:s4], $0x10  }
0x157: {  	[sflag:s4] =	ssyncset.done $0x0  }
0x158: {  	[sflag:s4] =	ssyncadd.s32 $0xFFFFFFF0  }
0x159: {  	_ =	swait.ge [sflag:s4], $0x10  }
0x15a: {  	[sflag:s4] =	ssyncset.done $0x0  }
0x15b: {  	[sflag:s4] =	ssyncadd.s32 $0xFFFFFFF0  }
0x15c: {  	_ =	swait.ge [sflag:s4], $0x10  }
0x15d: {  	[sflag:s4] =	ssyncset.done $0x0  }
0x15e: {  	[sflag:s4] =	ssyncadd.s32 $0xFFFFFFF0  }
0x15f: {  	_ =	swait.ge [sflag:s4], $0x10  }
0x160: {  	[sflag:s4] =	ssyncset.done $0x0  }
0x161: {  	[sflag:s4] =	ssyncadd.s32 $0xFFFFFFF0  }
0x162: {  	_ =	swait.ge [sflag:s4], $0x10  }
0x163: {  	[sflag:s4] =	ssyncset.done $0x0  }
0x164: {  	[sflag:s4] =	ssyncadd.s32 $0xFFFFFFF0  }
0x165: {  	_ =	swait.ge [sflag:s4], $0x10  }
0x166: {  	[sflag:s4] =	ssyncset.done $0x0  }
0x167: {  	[sflag:s4] =	ssyncadd.s32 $0xFFFFFFF0  }
0x168: {  	_ =	swait.ge [sflag:s4], $0x10  }
0x169: {  	[sflag:s4] =	ssyncset.done $0x0  }
0x16a: {  	[sflag:s4] =	ssyncadd.s32 $0xFFFFFFF0  }
0x16b: {  	_ =	swait.ge [sflag:s4], $0x10  }
0x16c: {  	[sflag:s4] =	ssyncset.done $0x0  }
0x16d: {  	[sflag:s4] =	ssyncadd.s32 $0xFFFFFFF0  }
0x16e: {  	_ =	swait.ge [sflag:s4], $0x10  }
0x16f: {  	[sflag:s4] =	ssyncset.done $0x0  }
0x170: {  	[sflag:s4] =	ssyncadd.s32 $0xFFFFFFF0  }
0x171: {  	_ =	swait.ge [sflag:s4], $0x10  }
0x172: {  	[sflag:s4] =	ssyncset.done $0x0  }
0x173: {  	p1 =	sne.s32 s0, $0x1;
	[sflag:s4] =	ssyncadd.s32 $0xFFFFFFF0  }
.Ltmp2:
0x174: {  	_ =	swait.ge [sflag:s4], $0x10;
	(pc) =	sbr.rel @p1 .LBB2_2-.Ltmp2, $4  }
0x175: {  	[sflag:s4] =	ssyncset.done $0x0  }
0x176: {  	s5 =	simm.s32 $0x400;
	s1 =	rddreg [dreg:$0x5];
	[sflag:s4] =	ssyncadd.s32 $0xFFFFFFF0  }
0x177: {  	[hbm4b:s1+s3] =	stream.strided.scatter [tilespmem:s3], [sflag:$0x2], $0x220, s5, s3, $0x38;
	[tilespmem:$0x240] =	vst v63  }
0x178: {  	s0 =	sadd.s32 $0xFFFFFFFF, s0;
	_ =	swait.ge [sflag:s2], $0x220  }
.LBB2_3:
0x179: {  	[sflag:s2] =	ssyncset.done @p0 $0x0  }
0x17a: {  	s0 =	rddreg [dreg:$0x4];
	[sflag:s2] =	ssyncadd.s32 @p0 $0xFFFFFDE0  }
0x17b: {  	[tilespmem:s7], [sflag:$0x2] =	stream.linear.gather [hbm4b:s0+s7], $0x20, $0x38;
	[tilespmem:$0x240] =	vst v63  }
0x17c: {  	_ =	swait.ge [sflag:s2], $0x20  }
0x17d: {  	[sflag:s2] =	ssyncset.done $0x0  }
0x17e: {  	[sflag:s2] =	ssyncadd.s32 $0xFFFFFFE0  }
0x17f: {  	v1 =	vld [tilespmem:$0x0];
	_ =	sdelay $0x4  }
0x180: {  	v2 =	vadd.s32 $0x186A0, v1;
	_ =	sdelay $0x1  }
0x181: {  	v3 =	vadd.s32 $0x30D40, v1  }
0x182: {  	[tilespmem:s3], [sflag:$0x1] =	stream.indirect_vreg.gather [hbm4b:s6+s7], $0x1, v1, vm0, $0xb8;
	[tilespmem:$0x240] =	vst v63  }
0x183: {  	s0 =	rddreg [dreg:$0x6];
	v4 =	vadd.s32 $0x493E0, v1  }
0x184: {  	[tilespmem:s0], [sflag:$0x1] =	stream.indirect_vreg.gather [hbm4b:s6+s7], $0x1, v2, vm0, $0xb8;
	[tilespmem:$0x240] =	vst v63  }
0x185: {  	s1 =	rddreg [dreg:$0x7];
	v39 =	vadd.s32 $0x61A80, v1  }
0x186: {  	[tilespmem:s1], [sflag:$0x1] =	stream.indirect_vreg.gather [hbm4b:s6+s7], $0x1, v3, vm0, $0xb8;
	[tilespmem:$0x240] =	vst v63  }
0x187: {  	v40 =	vadd.s32 $0x7A120, v1;
	s0 =	rddreg [dreg:$0x8]  }
0x188: {  	[tilespmem:s0], [sflag:$0x1] =	stream.indirect_vreg.gather [hbm4b:s6+s7], $0x1, v4, vm0, $0xb8;
	[tilespmem:$0x240] =	vst v63  }
0x189: {  	v41 =	vadd.s32 $0x927C0, v1;
	s1 =	rddreg [dreg:$0x9]  }
0x18a: {  	[tilespmem:s1], [sflag:$0x1] =	stream.indirect_vreg.gather [hbm4b:s6+s7], $0x1, v39, vm0, $0xb8;
	[tilespmem:$0x240] =	vst v63  }
0x18b: {  	v42 =	vadd.s32 $0xAAE60, v1;
	s0 =	rddreg [dreg:$0xa]  }
0x18c: {  	[tilespmem:s0], [sflag:$0x1] =	stream.indirect_vreg.gather [hbm4b:s6+s7], $0x1, v40, vm0, $0xb8;
	[tilespmem:$0x240] =	vst v63  }
0x18d: {  	v43 =	vadd.s32 $0xC3500, v1;
	s1 =	rddreg [dreg:$0xb]  }
0x18e: {  	[tilespmem:s1], [sflag:$0x1] =	stream.indirect_vreg.gather [hbm4b:s6+s7], $0x1, v41, vm0, $0xb8;
	[tilespmem:$0x240] =	vst v63  }
0x18f: {  	v44 =	vadd.s32 $0xDBBA0, v1;
	s0 =	rddreg [dreg:$0xc]  }
0x190: {  	[tilespmem:s0], [sflag:$0x1] =	stream.indirect_vreg.gather [hbm4b:s6+s7], $0x1, v42, vm0, $0xb8;
	[tilespmem:$0x240] =	vst v63  }
0x191: {  	v45 =	vadd.s32 $0xF4240, v1;
	s1 =	rddreg [dreg:$0xd]  }
0x192: {  	[tilespmem:s1], [sflag:$0x1] =	stream.indirect_vreg.gather [hbm4b:s6+s7], $0x1, v43, vm0, $0xb8;
	[tilespmem:$0x240] =	vst v63  }
0x193: {  	v46 =	vadd.s32 $0x10C8E0, v1  }
0x194: {  	[tilespmem:s31], [sflag:$0x1] =	stream.indirect_vreg.gather [hbm4b:s6+s7], $0x1, v44, vm0, $0xb8;
	[tilespmem:$0x240] =	vst v63  }
0x195: {  	v47 =	vadd.s32 $0x124F80, v1  }
0x196: {  	[tilespmem:s30], [sflag:$0x1] =	stream.indirect_vreg.gather [hbm4b:s6+s7], $0x1, v45, vm0, $0xb8;
	[tilespmem:$0x240] =	vst v63  }
0x197: {  	v48 =	vadd.s32 $0x13D620, v1  }
0x198: {  	[tilespmem:s29], [sflag:$0x1] =	stream.indirect_vreg.gather [hbm4b:s6+s7], $0x1, v46, vm0, $0xb8;
	[tilespmem:$0x240] =	vst v63  }
0x199: {  	v49 =	vadd.s32 $0x155CC0, v1  }
0x19a: {  	[tilespmem:s28], [sflag:$0x1] =	stream.indirect_vreg.gather [hbm4b:s6+s7], $0x1, v47, vm0, $0xb8;
	[tilespmem:$0x240] =	vst v63  }
0x19b: {  	v1 =	vadd.s32 $0x16E360, v1  }
0x19c: {  	[tilespmem:s24], [sflag:$0x1] =	stream.indirect_vreg.gather [hbm4b:s6+s7], $0x1, v48, vm0, $0xb8;
	[tilespmem:$0x240] =	vst v63  }
0x19d: {  	_ = 	snop  }
0x19e: {  	[tilespmem:s25], [sflag:$0x1] =	stream.indirect_vreg.gather [hbm4b:s6+s7], $0x1, v49, vm0, $0xb8;
	[tilespmem:$0x240] =	vst v63  }
0x19f: {  	_ = 	snop  }
0x1a0: {  	[tilespmem:s26], [sflag:$0x1] =	stream.indirect_vreg.gather [hbm4b:s6+s7], $0x1, v1, vm0, $0xb8;
	[tilespmem:$0x240] =	vst v63  }
0x1a1: {  	v1 =	vld [tilespmem:$0x10];
	_ =	sdelay $0x4  }
0x1a2: {  	v50 =	vadd.s32 $0x186A0, v1;
	_ =	sdelay $0x1  }
0x1a3: {  	v51 =	vadd.s32 $0x30D40, v1  }
0x1a4: {  	[tilespmem:s23], [sflag:$0x1] =	stream.indirect_vreg.gather [hbm4b:s6+s7], $0x1, v1, vm0, $0xb8;
	[tilespmem:$0x240] =	vst v63  }
0x1a5: {  	v52 =	vadd.s32 $0x493E0, v1  }
0x1a6: {  	[tilespmem:s22], [sflag:$0x1] =	stream.indirect_vreg.gather [hbm4b:s6+s7], $0x1, v50, vm0, $0xb8;
	[tilespmem:$0x240] =	vst v63  }
0x1a7: {  	v53 =	vadd.s32 $0x61A80, v1  }
0x1a8: {  	[tilespmem:s21], [sflag:$0x1] =	stream.indirect_vreg.gather [hbm4b:s6+s7], $0x1, v51, vm0, $0xb8;
	[tilespmem:$0x240] =	vst v63  }
0x1a9: {  	v54 =	vadd.s32 $0x7A120, v1  }
0x1aa: {  	[tilespmem:s20], [sflag:$0x1] =	stream.indirect_vreg.gather [hbm4b:s6+s7], $0x1, v52, vm0, $0xb8;
	[tilespmem:$0x240] =	vst v63  }
0x1ab: {  	v55 =	vadd.s32 $0x927C0, v1  }
0x1ac: {  	[tilespmem:s19], [sflag:$0x1] =	stream.indirect_vreg.gather [hbm4b:s6+s7], $0x1, v53, vm0, $0xb8;
	[tilespmem:$0x240] =	vst v63  }
0x1ad: {  	v56 =	vadd.s32 $0xAAE60, v1  }
0x1ae: {  	[tilespmem:s18], [sflag:$0x1] =	stream.indirect_vreg.gather [hbm4b:s6+s7], $0x1, v54, vm0, $0xb8;
	[tilespmem:$0x240] =	vst v63  }
0x1af: {  	v57 =	vadd.s32 $0xC3500, v1  }
0x1b0: {  	[tilespmem:s17], [sflag:$0x1] =	stream.indirect_vreg.gather [hbm4b:s6+s7], $0x1, v55, vm0, $0xb8;
	[tilespmem:$0x240] =	vst v63  }
0x1b1: {  	v58 =	vadd.s32 $0xDBBA0, v1  }
0x1b2: {  	[tilespmem:s16], [sflag:$0x1] =	stream.indirect_vreg.gather [hbm4b:s6+s7], $0x1, v56, vm0, $0xb8;
	[tilespmem:$0x240] =	vst v63  }
0x1b3: {  	v59 =	vadd.s32 $0xF4240, v1  }
0x1b4: {  	[tilespmem:s14], [sflag:$0x1] =	stream.indirect_vreg.gather [hbm4b:s6+s7], $0x1, v57, vm0, $0xb8;
	[tilespmem:$0x240] =	vst v63  }
0x1b5: {  	v60 =	vadd.s32 $0x10C8E0, v1  }
0x1b6: {  	[tilespmem:s12], [sflag:$0x1] =	stream.indirect_vreg.gather [hbm4b:s6+s7], $0x1, v58, vm0, $0xb8;
	[tilespmem:$0x240] =	vst v63  }
0x1b7: {  	v61 =	vadd.s32 $0x124F80, v1  }
0x1b8: {  	[tilespmem:s9], [sflag:$0x1] =	stream.indirect_vreg.gather [hbm4b:s6+s7], $0x1, v59, vm0, $0xb8;
	[tilespmem:$0x240] =	vst v63  }
0x1b9: {  	v62 =	vadd.s32 $0x13D620, v1  }
0x1ba: {  	[tilespmem:s8], [sflag:$0x1] =	stream.indirect_vreg.gather [hbm4b:s6+s7], $0x1, v60, vm0, $0xb8;
	[tilespmem:$0x240] =	vst v63  }
0x1bb: {  	v63 =	vadd.s32 $0x155CC0, v1  }
0x1bc: {  	[tilespmem:s13], [sflag:$0x1] =	stream.indirect_vreg.gather [hbm4b:s6+s7], $0x1, v61, vm0, $0xb8;
	[tilespmem:$0x240] =	vst v63  }
0x1bd: {  	v1 =	vadd.s32 $0x16E360, v1  }
0x1be: {  	[tilespmem:s10], [sflag:$0x1] =	stream.indirect_vreg.gather [hbm4b:s6+s7], $0x1, v62, vm0, $0xb8;
	[tilespmem:$0x240] =	vst v63  }
0x1bf: {  	_ = 	snop  }
0x1c0: {  	[tilespmem:s11], [sflag:$0x1] =	stream.indirect_vreg.gather [hbm4b:s6+s7], $0x1, v63, vm0, $0xb8;
	[tilespmem:$0x240] =	vst v63  }
0x1c1: {  	_ = 	snop  }
0x1c2: {  	[tilespmem:s15], [sflag:$0x1] =	stream.indirect_vreg.gather [hbm4b:s6+s7], $0x1, v1, vm0, $0xb8;
	[tilespmem:$0x240] =	vst v63  }
0x1c3: {  	[tilespmem:$0x220] =	vst v0  }
0x1c4: {  	[tilespmem:$0x230] =	vst v0  }
0x1c5: {  	_ =	swait.ge [sflag:s4], $0x10  }
0x1c6: {  	[sflag:s4] =	ssyncset.done $0x0  }
0x1c7: {  	[sflag:s4] =	ssyncadd.s32 $0xFFFFFFF0  }
0x1c8: {  	_ =	swait.ge [sflag:s4], $0x10  }
0x1c9: {  	[sflag:s4] =	ssyncset.done $0x0  }
0x1ca: {  	[sflag:s4] =	ssyncadd.s32 $0xFFFFFFF0  }
0x1cb: {  	_ =	swait.ge [sflag:s4], $0x10  }
0x1cc: {  	[sflag:s4] =	ssyncset.done $0x0  }
0x1cd: {  	[sflag:s4] =	ssyncadd.s32 $0xFFFFFFF0  }
0x1ce: {  	_ =	swait.ge [sflag:s4], $0x10  }
0x1cf: {  	[sflag:s4] =	ssyncset.done $0x0  }
0x1d0: {  	[sflag:s4] =	ssyncadd.s32 $0xFFFFFFF0  }
0x1d1: {  	_ =	swait.ge [sflag:s4], $0x10  }
0x1d2: {  	[sflag:s4] =	ssyncset.done $0x0  }
0x1d3: {  	[sflag:s4] =	ssyncadd.s32 $0xFFFFFFF0  }
0x1d4: {  	_ =	swait.ge [sflag:s4], $0x10  }
0x1d5: {  	[sflag:s4] =	ssyncset.done $0x0  }
0x1d6: {  	[sflag:s4] =	ssyncadd.s32 $0xFFFFFFF0  }
0x1d7: {  	_ =	swait.ge [sflag:s4], $0x10  }
0x1d8: {  	[sflag:s4] =	ssyncset.done $0x0  }
0x1d9: {  	[sflag:s4] =	ssyncadd.s32 $0xFFFFFFF0  }
0x1da: {  	_ =	swait.ge [sflag:s4], $0x10  }
0x1db: {  	[sflag:s4] =	ssyncset.done $0x0  }
0x1dc: {  	[sflag:s4] =	ssyncadd.s32 $0xFFFFFFF0  }
0x1dd: {  	_ =	swait.ge [sflag:s4], $0x10  }
0x1de: {  	[sflag:s4] =	ssyncset.done $0x0  }
0x1df: {  	[sflag:s4] =	ssyncadd.s32 $0xFFFFFFF0  }
0x1e0: {  	_ =	swait.ge [sflag:s4], $0x10  }
0x1e1: {  	[sflag:s4] =	ssyncset.done $0x0  }
0x1e2: {  	[sflag:s4] =	ssyncadd.s32 $0xFFFFFFF0  }
0x1e3: {  	_ =	swait.ge [sflag:s4], $0x10  }
0x1e4: {  	[sflag:s4] =	ssyncset.done $0x0  }
0x1e5: {  	[sflag:s4] =	ssyncadd.s32 $0xFFFFFFF0  }
0x1e6: {  	_ =	swait.ge [sflag:s4], $0x10  }
0x1e7: {  	[sflag:s4] =	ssyncset.done $0x0  }
0x1e8: {  	[sflag:s4] =	ssyncadd.s32 $0xFFFFFFF0  }
0x1e9: {  	_ =	swait.ge [sflag:s4], $0x10  }
0x1ea: {  	[sflag:s4] =	ssyncset.done $0x0  }
0x1eb: {  	[sflag:s4] =	ssyncadd.s32 $0xFFFFFFF0  }
0x1ec: {  	_ =	swait.ge [sflag:s4], $0x10  }
0x1ed: {  	[sflag:s4] =	ssyncset.done $0x0  }
0x1ee: {  	[sflag:s4] =	ssyncadd.s32 $0xFFFFFFF0  }
0x1ef: {  	_ =	swait.ge [sflag:s4], $0x10  }
0x1f0: {  	[sflag:s4] =	ssyncset.done $0x0  }
0x1f1: {  	[sflag:s4] =	ssyncadd.s32 $0xFFFFFFF0  }
0x1f2: {  	_ =	swait.ge [sflag:s4], $0x10  }
0x1f3: {  	[sflag:s4] =	ssyncset.done $0x0  }
0x1f4: {  	[sflag:s4] =	ssyncadd.s32 $0xFFFFFFF0  }
0x1f5: {  	_ =	swait.ge [sflag:s4], $0x10  }
0x1f6: {  	[sflag:s4] =	ssyncset.done $0x0  }
0x1f7: {  	[sflag:s4] =	ssyncadd.s32 $0xFFFFFFF0  }
0x1f8: {  	_ =	swait.ge [sflag:s4], $0x10  }
0x1f9: {  	[sflag:s4] =	ssyncset.done $0x0  }
0x1fa: {  	[sflag:s4] =	ssyncadd.s32 $0xFFFFFFF0  }
0x1fb: {  	_ =	swait.ge [sflag:s4], $0x10  }
0x1fc: {  	[sflag:s4] =	ssyncset.done $0x0  }
0x1fd: {  	[sflag:s4] =	ssyncadd.s32 $0xFFFFFFF0  }
0x1fe: {  	_ =	swait.ge [sflag:s4], $0x10  }
0x1ff: {  	[sflag:s4] =	ssyncset.done $0x0  }
0x200: {  	[sflag:s4] =	ssyncadd.s32 $0xFFFFFFF0  }
0x201: {  	_ =	swait.ge [sflag:s4], $0x10  }
0x202: {  	[sflag:s4] =	ssyncset.done $0x0  }
0x203: {  	[sflag:s4] =	ssyncadd.s32 $0xFFFFFFF0  }
0x204: {  	_ =	swait.ge [sflag:s4], $0x10  }
0x205: {  	[sflag:s4] =	ssyncset.done $0x0  }
0x206: {  	[sflag:s4] =	ssyncadd.s32 $0xFFFFFFF0  }
0x207: {  	_ =	swait.ge [sflag:s4], $0x10  }
0x208: {  	[sflag:s4] =	ssyncset.done $0x0  }
0x209: {  	[sflag:s4] =	ssyncadd.s32 $0xFFFFFFF0  }
0x20a: {  	_ =	swait.ge [sflag:s4], $0x10  }
0x20b: {  	[sflag:s4] =	ssyncset.done $0x0  }
0x20c: {  	[sflag:s4] =	ssyncadd.s32 $0xFFFFFFF0  }
0x20d: {  	_ =	swait.ge [sflag:s4], $0x10  }
0x20e: {  	[sflag:s4] =	ssyncset.done $0x0  }
0x20f: {  	[sflag:s4] =	ssyncadd.s32 $0xFFFFFFF0  }
0x210: {  	_ =	swait.ge [sflag:s4], $0x10  }
0x211: {  	[sflag:s4] =	ssyncset.done $0x0  }
0x212: {  	[sflag:s4] =	ssyncadd.s32 $0xFFFFFFF0  }
0x213: {  	_ =	swait.ge [sflag:s4], $0x10  }
0x214: {  	[sflag:s4] =	ssyncset.done $0x0  }
0x215: {  	[sflag:s4] =	ssyncadd.s32 $0xFFFFFFF0  }
0x216: {  	_ =	swait.ge [sflag:s4], $0x10  }
0x217: {  	[sflag:s4] =	ssyncset.done $0x0  }
0x218: {  	[sflag:s4] =	ssyncadd.s32 $0xFFFFFFF0  }
0x219: {  	_ =	swait.ge [sflag:s4], $0x10  }
0x21a: {  	[sflag:s4] =	ssyncset.done $0x0  }
0x21b: {  	[sflag:s4] =	ssyncadd.s32 $0xFFFFFFF0  }
0x21c: {  	_ =	swait.ge [sflag:s4], $0x10  }
0x21d: {  	[sflag:s4] =	ssyncset.done $0x0  }
0x21e: {  	[sflag:s4] =	ssyncadd.s32 $0xFFFFFFF0  }
0x21f: {  	_ =	swait.ge [sflag:s4], $0x10  }
0x220: {  	[sflag:s4] =	ssyncset.done $0x0  }
0x221: {  	[sflag:s4] =	ssyncadd.s32 $0xFFFFFFF0  }
0x222: {  	_ =	swait.ge [sflag:s4], $0x10  }
0x223: {  	[sflag:s4] =	ssyncset.done $0x0  }
0x224: {  	s30 =	rddreg [dreg:$0x5];
	[sflag:s4] =	ssyncadd.s32 $0xFFFFFFF0  }
0x225: {  	[hbm4b:s30+s3] =	stream.strided.scatter [tilespmem:s3], [sflag:$0x2], $0x220, s5, s3, $0x38;
	[tilespmem:$0x240] =	vst v63  }
0x226: {  	_ =	swait.ge [sflag:s2], $0x220  }
0x227: {  	[sflag:s2] =	ssyncset.done $0x0  }
0x228: {  	[sflag:s2] =	ssyncadd.s32 $0xFFFFFDE0  }
0x229: {  	_ =	sfence.sel $0x180000  }
0x22a: {  	[bflag:$0x0] =	sbarrier.arrive $0xFFFF  }
0x22b: {  	_ =	strace $0x90000047  }
0x22c: {  	s31 =	stileid.u32;
	[bflag:$0x2] =	sbarrier.arrive $0xFFFF  }
0x22d: {  	p0 =	sne.s32 s31, $0x0;
	s0 =	rddreg [dreg:$0x3]  }
0x22e: {  	s0 =	sadd.s32 @!p0 $0x100000, s0  }
0x22f: {  	[sflag:s0] =	ssyncadd.tile.s32 @!p0 $0x1;
	_ =	shalt  }
.Lfunc_end2:
_tile_overlayer_lowered:
.L_overlay_start_2:
0x230: {  	(tag) =	ssettag $0x2  }
0x231: {  	s0 =	rddreg [dreg:$0x0];
	s2 =	stileid.u32  }
0x232: {  	s1 =	rddreg [dreg:$0x1];
	p0 =	sne.s32 s2, $0x0  }
0x233: {  	s3 =	rddreg [dreg:$0x2];
	[bflag:$0x3] =	sbarrier.arrive $0xFFFF;
	s2 =	simm.s32 @!p0 $0x1C02  }
0x234: {  	[timem:s3], [sflag:s2] =	dma.local @!p0 [hbm:s0], s1  }
0x235: {  	s0 =	simm.s32 @!p0 $0x2  }
0x236: {  	_ =	swait.ge @!p0 [sflag:s0], s1  }
0x237: {  	s1 =	ssub.s32 @!p0 $0x0, s1;
	[sflag:s0] =	ssyncset.done @!p0 $0x0  }
0x238: {  	[sflag:s0] =	ssyncadd.s32 @!p0 s1  }
0x239: {  	[bflag:$0x3] =	sbarrier.arrive $0xFFFF  }
0x23a: {  	_ =	shalt  }

</sc_bundles>
